<compile_context>
chip_gen: v7x
topology: tpu7x:2x2x1
jax: 0.10.2.dev20260603
libtpu: 0.0.44.dev20260713+nightly
codegen_flags: <defaults>
</compile_context>

<pallas_src>
import functools

import jax
import jax.numpy as jnp
from jax import lax
from jax.experimental import pallas as pl
from jax.experimental.pallas import tpu as pltpu
from jax.experimental.pallas import tpu_sc as plsc

EMB = 1024
POOL = 64
TOPK = 2
CLEN = 6
HALF = CLEN // 2
B = 4096
NPLANES = TOPK * CLEN

BLK = 512
NC = 2
NS = 16
NW = NC * NS
TPW = B // NW
CHT = 16
NCH = TPW // CHT
NBUF = 6


def _route_body(x_ref, key_ref, w_ref, b_ref, xb_ref, inc_ref,
                idx_ref, xbo_ref):
    x = x_ref[...]
    t = lax.dot_general(x, w_ref[...], (((1,), (1,)), ((), ())),
                        precision=lax.Precision.DEFAULT,
                        preferred_element_type=jnp.float32)
    t = jnp.maximum(t + b_ref[...], 0.0)
    n = jnp.sqrt(jnp.sum(t * t, axis=1, keepdims=True))
    q = t / jnp.maximum(n, 1e-12)
    k = key_ref[...]
    kn = jnp.sqrt(jnp.sum(k * k, axis=1, keepdims=True))
    nk = k / jnp.maximum(kn, 1e-12)
    s = lax.dot_general(q, nk, (((1,), (1,)), ((), ())),
                        precision=lax.Precision.DEFAULT,
                        preferred_element_type=jnp.float32)
    iota = lax.broadcasted_iota(jnp.int32, s.shape, 1)
    m1 = jnp.max(s, axis=1, keepdims=True)
    i1 = jnp.min(jnp.where(s == m1, iota, POOL), axis=1, keepdims=True)
    s2 = jnp.where(iota == i1, -jnp.inf, s)
    m2 = jnp.max(s2, axis=1, keepdims=True)
    i2 = jnp.min(jnp.where(s2 == m2, iota, POOL), axis=1, keepdims=True)
    idx_ref[...] = jnp.concatenate([i1, i2], axis=1)
    xbo_ref[...] = xb_ref[...] * inc_ref[0, 0]


_route = pl.pallas_call(
    _route_body,
    grid=(B // BLK,),
    in_specs=[
        pl.BlockSpec((BLK, EMB), lambda i: (i, 0)),
        pl.BlockSpec((POOL, EMB), lambda i: (0, 0)),
        pl.BlockSpec((EMB, EMB), lambda i: (0, 0)),
        pl.BlockSpec((1, EMB), lambda i: (0, 0)),
        pl.BlockSpec((BLK, EMB), lambda i: (i, 0)),
        pl.BlockSpec(memory_space=pltpu.SMEM),
    ],
    out_specs=[
        pl.BlockSpec((BLK, TOPK), lambda i: (i, 0)),
        pl.BlockSpec((BLK, EMB), lambda i: (i, 0)),
    ],
    out_shape=[
        jax.ShapeDtypeStruct((B, TOPK), jnp.int32),
        jax.ShapeDtypeStruct((B, EMB), jnp.float32),
    ],
)


def _gather_body(*args):
    tbl = args[:CLEN]
    idx0, idx1 = args[CLEN], args[CLEN + 1]
    outk, outv = args[CLEN + 2], args[CLEN + 3]
    idxw = (args[CLEN + 4], args[CLEN + 5])
    a = CLEN + 6
    bufs = args[a:a + NBUF]
    gsem = args[a + NBUF:a + 2 * NBUF]
    wsem = args[a + 2 * NBUF:a + 3 * NBUF]

    cid = lax.axis_index("c")
    sid = lax.axis_index("s")
    wid = sid * NC + cid
    base = wid * TPW
    pltpu.sync_copy(idx0.at[pl.ds(base, TPW)], idxw[0])
    pltpu.sync_copy(idx1.at[pl.ds(base, TPW)], idxw[1])

    def src(r, c):
        t = tbl[r % HALF] if r < CLEN else tbl[HALF + r % HALF]
        s = (r % CLEN) // HALF
        return t.at[idxw[s].at[pl.ds(c * CHT, CHT)]]

    def dst(r, c):
        tgt = outk if r < CLEN else outv
        return tgt.at[r % CLEN, pl.ds(base + c * CHT, CHT)]

    def step(c, carry):
        for r in range(NPLANES):
            b = r % NBUF
            nb = (r + 2) % NBUF
            if r <= 3:
                @pl.when(c > 0)
                def _():
                    pltpu.make_async_copy(bufs[nb], dst(0, 0),
                                          wsem[nb]).wait()
            else:
                pltpu.make_async_copy(bufs[nb], dst(0, 0),
                                      wsem[nb]).wait()
            if r < NPLANES - 2:
                pltpu.async_copy(src(r + 2, c), bufs[nb], gsem[nb])
            else:
                @pl.when(c + 1 < NCH)
                def _():
                    pltpu.async_copy(src(r + 2 - NPLANES, c + 1), bufs[nb],
                                     gsem[nb])
            pltpu.make_async_copy(src(r, c), bufs[b], gsem[b]).wait()
            pltpu.async_copy(bufs[b], dst(r, c), wsem[b])
        return carry

    pltpu.async_copy(src(0, 0), bufs[0], gsem[0])
    pltpu.async_copy(src(1, 0), bufs[1], gsem[1])
    lax.fori_loop(0, NCH, step, 0)
    pltpu.make_async_copy(bufs[(NPLANES - 4) % NBUF], dst(0, 0),
                          wsem[(NPLANES - 4) % NBUF]).wait()
    pltpu.make_async_copy(bufs[(NPLANES - 3) % NBUF], dst(0, 0),
                          wsem[(NPLANES - 3) % NBUF]).wait()
    pltpu.make_async_copy(bufs[(NPLANES - 2) % NBUF], dst(0, 0),
                          wsem[(NPLANES - 2) % NBUF]).wait()
    pltpu.make_async_copy(bufs[(NPLANES - 1) % NBUF], dst(0, 0),
                          wsem[(NPLANES - 1) % NBUF]).wait()


@functools.lru_cache(maxsize=1)
def _build_gather():
    return pl.kernel(
        _gather_body,
        out_type=[
            jax.ShapeDtypeStruct((CLEN, B, EMB), jnp.float32),
            jax.ShapeDtypeStruct((CLEN, B, EMB), jnp.float32),
        ],
        mesh=plsc.VectorSubcoreMesh(core_axis_name="c", subcore_axis_name="s",
                                    num_cores=NC, num_subcores=NS),
        scratch_types=(
            [pltpu.VMEM((TPW,), jnp.int32) for _ in range(2)]
            + [pltpu.VMEM((CHT, EMB), jnp.float32) for _ in range(NBUF)]
            + [pltpu.SemaphoreType.DMA for _ in range(2 * NBUF)]
        ),
    )


def kernel(l, x_block, x_query, key, W, b, c_p):
    xq = jnp.squeeze(x_query, axis=1)
    in_c = jnp.any(l == jnp.asarray([2, 3])).astype(jnp.float32)
    idx, xb_out = _route(xq, key, W, b.reshape(1, EMB), x_block,
                         in_c.reshape(1, 1))
    cps = c_p * in_c
    tables = [cps[:, j, :] for j in range(CLEN)]
    ck6, cv6 = _build_gather()(*tables, idx[:, 0], idx[:, 1])
    ck = jnp.transpose(ck6, (1, 0, 2))
    cv = jnp.transpose(cv6, (1, 0, 2))
    return (ck, cv, xb_out)

# --- scband reference (transcript-rebuilt; emitter-appended) ---
"""Pipeline reference for scband-prompt-cod-89773406421072 (READ-ONLY COPY).

The authoritative reference and input builder live on the scoring server;
editing this copy changes nothing except your own understanding.
"""

import jax, jax.numpy as jnp
import numpy as np

EMB_DIM = 1024
POOL_SIZE = 64
TOP_K = 2
C_LENGTH = 6
G_LAYERS = [0, 1]
C_LAYERS = [2, 3]
B_TOKENS = 4096


def setup_inputs() -> dict:
    key0 = jax.random.key(0)
    ks = jax.random.split(key0, 6)
    x_block = jax.random.normal(ks[0], (B_TOKENS, EMB_DIM), dtype=jnp.float32)
    x_query = jax.random.normal(ks[1], (B_TOKENS, 1, EMB_DIM), dtype=jnp.float32)
    key = jax.random.normal(ks[2], (POOL_SIZE, EMB_DIM), dtype=jnp.float32)
    # project_prompt: nn.Linear(emb_dim, emb_dim) -> W [out, in], b [out]
    W = jax.random.normal(ks[3], (EMB_DIM, EMB_DIM), dtype=jnp.float32) * 0.02
    b = jnp.zeros((EMB_DIM,), dtype=jnp.float32)
    # c_2 prompt pool parameter: [pool_size, c_length, emb_dim]
    c_p = jax.random.normal(ks[4], (POOL_SIZE, C_LENGTH, EMB_DIM), dtype=jnp.float32) * 0.02
    return {"l": 2, "x_block": x_block, "x_query": x_query, "key": key, "W": W, "b": b, "c_p": c_p}


def _normalize(x, axis):
    # torch F.normalize(p=2, eps=1e-12)
    n = jnp.linalg.norm(x, axis=axis, keepdims=True)
    return x / jnp.maximum(n, 1e-12)


def reference(l, x_block, x_query, key, W, b, c_p):
    x_query = jnp.squeeze(x_query, axis=1)
    # NOTE: in the original torch code, the `else` of the c_layers branch
    # overwrites p_return=None for l in g_layers. We run l=2 (c-branch),
    # which is the interesting routing path.
    in_c = jnp.any(l == jnp.asarray(C_LAYERS)).astype(x_block.dtype)
    B, C = x_query.shape
    # forward_ffn: relu(Linear(x))
    x_q = jax.nn.relu(x_query @ W.T + b)
    q = _normalize(x_q, 1)
    n_K = _normalize(key, 1)
    # einsum('bj,kj->bk')
    cos_sim = q @ n_K.T
    _, idx = jax.lax.top_k(cos_sim, TOP_K)
    P_ = jnp.take(c_p, idx, axis=0)  # [B, TOP_K, C_LENGTH, EMB]
    i = C_LENGTH // 2
    Ck = jnp.reshape(P_[:, :, :i, :], (B, -1, EMB_DIM))
    Cv = jnp.reshape(P_[:, :, i:, :], (B, -1, EMB_DIM))
    return (Ck * in_c, Cv * in_c, x_block * in_c)

if __name__ == "__main__":
    import jax
    _d = setup_inputs()
    print(jax.jit(kernel)(*tuple(_d.values())))

</pallas_src>

<mosaic_0001>
#map = affine_map<(d0, d1) -> (0, 0)>
#map1 = affine_map<(d0, d1) -> (0)>
#map2 = affine_map<(d0, d1) -> (0, 0, 0)>
module attributes {stable_mosaic.version = 14 : i64} {
  func.func @_gather_body(%arg0: i32, %arg1: i32, %arg2: memref<64x1024xf32, #tpu.memory_space<hbm>>, %arg3: memref<64x1024xf32, #tpu.memory_space<hbm>>, %arg4: memref<64x1024xf32, #tpu.memory_space<hbm>>, %arg5: memref<64x1024xf32, #tpu.memory_space<hbm>>, %arg6: memref<64x1024xf32, #tpu.memory_space<hbm>>, %arg7: memref<64x1024xf32, #tpu.memory_space<hbm>>, %arg8: memref<4096xi32, #tpu.memory_space<hbm>>, %arg9: memref<4096xi32, #tpu.memory_space<hbm>>, %arg10: memref<6x4096x1024xf32, #tpu.memory_space<hbm>>, %arg11: memref<6x4096x1024xf32, #tpu.memory_space<hbm>>, %arg12: memref<128xi32, #tpu.memory_space<vmem>>, %arg13: memref<128xi32, #tpu.memory_space<vmem>>, %arg14: memref<16x1024xf32, #tpu.memory_space<vmem>>, %arg15: memref<16x1024xf32, #tpu.memory_space<vmem>>, %arg16: memref<16x1024xf32, #tpu.memory_space<vmem>>, %arg17: memref<16x1024xf32, #tpu.memory_space<vmem>>, %arg18: memref<16x1024xf32, #tpu.memory_space<vmem>>, %arg19: memref<16x1024xf32, #tpu.memory_space<vmem>>, %arg20: memref<!tpu.dma_semaphore, #tpu.memory_space<semaphore_mem>>, %arg21: memref<!tpu.dma_semaphore, #tpu.memory_space<semaphore_mem>>, %arg22: memref<!tpu.dma_semaphore, #tpu.memory_space<semaphore_mem>>, %arg23: memref<!tpu.dma_semaphore, #tpu.memory_space<semaphore_mem>>, %arg24: memref<!tpu.dma_semaphore, #tpu.memory_space<semaphore_mem>>, %arg25: memref<!tpu.dma_semaphore, #tpu.memory_space<semaphore_mem>>, %arg26: memref<!tpu.dma_semaphore, #tpu.memory_space<semaphore_mem>>, %arg27: memref<!tpu.dma_semaphore, #tpu.memory_space<semaphore_mem>>, %arg28: memref<!tpu.dma_semaphore, #tpu.memory_space<semaphore_mem>>, %arg29: memref<!tpu.dma_semaphore, #tpu.memory_space<semaphore_mem>>, %arg30: memref<!tpu.dma_semaphore, #tpu.memory_space<semaphore_mem>>, %arg31: memref<!tpu.dma_semaphore, #tpu.memory_space<semaphore_mem>>) attributes {dimension_semantics = [#tpu.dimension_semantics<core_parallel>, #tpu.dimension_semantics<subcore_parallel>], iteration_bounds = array<i64: 2, 16>, scalar_prefetch = 0 : i64, scratch_operands = 20 : i64, tpu.core_type = #tpu.core_type<sc_vector_subcore>, window_params = [{transform_indices = #map}, {transform_indices = #map}, {transform_indices = #map}, {transform_indices = #map}, {transform_indices = #map}, {transform_indices = #map}, {transform_indices = #map1}, {transform_indices = #map1}, {transform_indices = #map2}, {transform_indices = #map2}]} {
    %mul3A = arith.constant 2 : i32
    %mul3A_0 = arith.muli %arg1, %mul3A : i32
    %add3A = arith.addi %mul3A_0, %arg0 : i32
    %mul3A_1 = arith.constant 128 : i32
    %mul3A_2 = arith.muli %add3A, %mul3A_1 : i32
    "tpu.region"() ({
      %run_scoped3A = tpu.sem_alloc : memref<!tpu.dma_semaphore, #tpu.memory_space<semaphore_mem>>
      %dma_start3A_52 = tpu.memref_slice %arg8[%mul3A_2] : memref<4096xi32, #tpu.memory_space<hbm>> -> memref<128xi32, #tpu.memory_space<hbm>>
      %dma_start3A_53 = tpu.memref_slice %arg8[%mul3A_2] : memref<4096xi32, #tpu.memory_space<hbm>> -> memref<128xi32, #tpu.memory_space<hbm>>
      tpu.enqueue_dma source(%dma_start3A_53 : memref<128xi32, #tpu.memory_space<hbm>>) target(%arg12 : memref<128xi32, #tpu.memory_space<vmem>>) target_semaphore(%run_scoped3A : memref<!tpu.dma_semaphore, #tpu.memory_space<semaphore_mem>>)
      %dma_wait3A_54 = tpu.memref_slice %arg8[%mul3A_2] : memref<4096xi32, #tpu.memory_space<hbm>> -> memref<128xi32, #tpu.memory_space<hbm>>
      %dma_wait3A_55 = tpu.memref_slice %arg8[%mul3A_2] : memref<4096xi32, #tpu.memory_space<hbm>> -> memref<128xi32, #tpu.memory_space<hbm>>
      tpu.wait_dma2 semaphore(%run_scoped3A : memref<!tpu.dma_semaphore, #tpu.memory_space<semaphore_mem>>) src(%dma_wait3A_55 : memref<128xi32, #tpu.memory_space<hbm>>) dst(%arg12 : memref<128xi32, #tpu.memory_space<vmem>>)
      tpu.yield
    }) : () -> ()
    "tpu.region"() ({
      %run_scoped3A = tpu.sem_alloc : memref<!tpu.dma_semaphore, #tpu.memory_space<semaphore_mem>>
      %dma_start3A_52 = tpu.memref_slice %arg9[%mul3A_2] : memref<4096xi32, #tpu.memory_space<hbm>> -> memref<128xi32, #tpu.memory_space<hbm>>
      %dma_start3A_53 = tpu.memref_slice %arg9[%mul3A_2] : memref<4096xi32, #tpu.memory_space<hbm>> -> memref<128xi32, #tpu.memory_space<hbm>>
      tpu.enqueue_dma source(%dma_start3A_53 : memref<128xi32, #tpu.memory_space<hbm>>) target(%arg13 : memref<128xi32, #tpu.memory_space<vmem>>) target_semaphore(%run_scoped3A : memref<!tpu.dma_semaphore, #tpu.memory_space<semaphore_mem>>)
      %dma_wait3A_54 = tpu.memref_slice %arg9[%mul3A_2] : memref<4096xi32, #tpu.memory_space<hbm>> -> memref<128xi32, #tpu.memory_space<hbm>>
      %dma_wait3A_55 = tpu.memref_slice %arg9[%mul3A_2] : memref<4096xi32, #tpu.memory_space<hbm>> -> memref<128xi32, #tpu.memory_space<hbm>>
      tpu.wait_dma2 semaphore(%run_scoped3A : memref<!tpu.dma_semaphore, #tpu.memory_space<semaphore_mem>>) src(%dma_wait3A_55 : memref<128xi32, #tpu.memory_space<hbm>>) dst(%arg13 : memref<128xi32, #tpu.memory_space<vmem>>)
      tpu.yield
    }) : () -> ()
    %dma_start3A = arith.constant 0 : i32
    %dma_start3A_3 = tpu.memref_slice %arg12[%dma_start3A] : memref<128xi32, #tpu.memory_space<vmem>> -> memref<16xi32, #tpu.memory_space<vmem>>
    %dma_start3A_4 = arith.constant 0 : i32
    %dma_start3A_5 = arith.constant 0 : i32
    %dma_start3A_6 = tpu.memref_slice %arg2[%dma_start3A_4, %dma_start3A_5] : memref<64x1024xf32, #tpu.memory_space<hbm>> -> memref<64x1024xf32, #tpu.memory_space<hbm>>
    tpu.enqueue_indirect_dma source(%dma_start3A_6 : memref<64x1024xf32, #tpu.memory_space<hbm>>) target(%arg14 : memref<16x1024xf32, #tpu.memory_space<vmem>>) offsets(%dma_start3A_3 : memref<16xi32, #tpu.memory_space<vmem>>) semaphore(%arg20 : memref<!tpu.dma_semaphore, #tpu.memory_space<semaphore_mem>>)
    %dma_start3A_7 = arith.constant 0 : i32
    %dma_start3A_8 = tpu.memref_slice %arg12[%dma_start3A_7] : memref<128xi32, #tpu.memory_space<vmem>> -> memref<16xi32, #tpu.memory_space<vmem>>
    %dma_start3A_9 = arith.constant 0 : i32
    %dma_start3A_10 = arith.constant 0 : i32
    %dma_start3A_11 = tpu.memref_slice %arg3[%dma_start3A_9, %dma_start3A_10] : memref<64x1024xf32, #tpu.memory_space<hbm>> -> memref<64x1024xf32, #tpu.memory_space<hbm>>
    tpu.enqueue_indirect_dma source(%dma_start3A_11 : memref<64x1024xf32, #tpu.memory_space<hbm>>) target(%arg15 : memref<16x1024xf32, #tpu.memory_space<vmem>>) offsets(%dma_start3A_8 : memref<16xi32, #tpu.memory_space<vmem>>) semaphore(%arg21 : memref<!tpu.dma_semaphore, #tpu.memory_space<semaphore_mem>>)
    %scan3A = arith.constant 0 : i32
    %scan3A_12 = arith.constant 0 : i32
    %scan3A_13 = arith.constant 8 : i32
    %scan3A_14 = arith.addi %scan3A_12, %scan3A_13 : i32
    %scan3A_15 = arith.constant 1 : i32
    scf.for %scan3A_52 = %scan3A_12 to %scan3A_14 step %scan3A_15  : i32 {
      %gt3A = arith.constant 0 : i32
      %gt3A_53 = arith.cmpi sgt, %scan3A_52, %gt3A : i32
      %convert_element_type3A = arith.extui %gt3A_53 : i1 to i32
      %cond3A = arith.constant 0 : i32
      %cond3A_54 = arith.cmpi ne, %convert_element_type3A, %cond3A : i32
      scf.if %cond3A_54 {
        %add3A_407 = arith.constant 0 : i32
        %add3A_408 = arith.addi %mul3A_2, %add3A_407 : i32
        %dma_wait3A_409 = arith.constant 0 : i32
        %dma_wait3A_410 = arith.constant 0 : i32
        %dma_wait3A_411 = tpu.memref_slice %arg10[%dma_wait3A_409, %add3A_408, %dma_wait3A_410] : memref<6x4096x1024xf32, #tpu.memory_space<hbm>> -> memref<1x16x1024xf32, #tpu.memory_space<hbm>>
        %dma_wait3A_412 = tpu.memref_squeeze %dma_wait3A_411 : memref<1x16x1024xf32, #tpu.memory_space<hbm>> -> memref<16x1024xf32, #tpu.memory_space<hbm>>
        %dma_wait3A_413 = arith.constant 0 : i32
        %dma_wait3A_414 = tpu.memref_slice %arg10[%dma_wait3A_409, %add3A_408, %dma_wait3A_413] : memref<6x4096x1024xf32, #tpu.memory_space<hbm>> -> memref<1x16x1024xf32, #tpu.memory_space<hbm>>
        %dma_wait3A_415 = tpu.memref_squeeze %dma_wait3A_414 : memref<1x16x1024xf32, #tpu.memory_space<hbm>> -> memref<16x1024xf32, #tpu.memory_space<hbm>>
        tpu.wait_dma2 semaphore(%arg28 : memref<!tpu.dma_semaphore, #tpu.memory_space<semaphore_mem>>) src(%arg16 : memref<16x1024xf32, #tpu.memory_space<vmem>>) dst(%dma_wait3A_415 : memref<16x1024xf32, #tpu.memory_space<hbm>>)
      } else {
      }
      %mul3A_55 = arith.constant 16 : i32
      %mul3A_56 = arith.muli %scan3A_52, %mul3A_55 : i32
      %dma_start3A_57 = tpu.memref_slice %arg12[%mul3A_56] : memref<128xi32, #tpu.memory_space<vmem>> -> memref<16xi32, #tpu.memory_space<vmem>>
      %dma_start3A_58 = arith.constant 0 : i32
      %dma_start3A_59 = arith.constant 0 : i32
      %dma_start3A_60 = tpu.memref_slice %arg4[%dma_start3A_58, %dma_start3A_59] : memref<64x1024xf32, #tpu.memory_space<hbm>> -> memref<64x1024xf32, #tpu.memory_space<hbm>>
      tpu.enqueue_indirect_dma source(%dma_start3A_60 : memref<64x1024xf32, #tpu.memory_space<hbm>>) target(%arg16 : memref<16x1024xf32, #tpu.memory_space<vmem>>) offsets(%dma_start3A_57 : memref<16xi32, #tpu.memory_space<vmem>>) semaphore(%arg22 : memref<!tpu.dma_semaphore, #tpu.memory_space<semaphore_mem>>)
      %mul3A_61 = arith.constant 16 : i32
      %mul3A_62 = arith.muli %scan3A_52, %mul3A_61 : i32
      %dma_wait3A_63 = tpu.memref_slice %arg12[%mul3A_62] : memref<128xi32, #tpu.memory_space<vmem>> -> memref<16xi32, #tpu.memory_space<vmem>>
      %dma_wait3A_64 = arith.constant 0 : i32
      %dma_wait3A_65 = arith.constant 0 : i32
      %dma_wait3A_66 = tpu.memref_slice %arg2[%dma_wait3A_64, %dma_wait3A_65] : memref<64x1024xf32, #tpu.memory_space<hbm>> -> memref<64x1024xf32, #tpu.memory_space<hbm>>
      tpu.wait_indirect_dma semaphore(%arg20 : memref<!tpu.dma_semaphore, #tpu.memory_space<semaphore_mem>>) src(%dma_wait3A_66 : memref<64x1024xf32, #tpu.memory_space<hbm>>) dst(%arg14 : memref<16x1024xf32, #tpu.memory_space<vmem>>)
      %mul3A_67 = arith.constant 16 : i32
      %mul3A_68 = arith.muli %scan3A_52, %mul3A_67 : i32
      %add3A_69 = arith.addi %mul3A_2, %mul3A_68 : i32
      %dma_start3A_70 = arith.constant 0 : i32
      %dma_start3A_71 = arith.constant 0 : i32
      %dma_start3A_72 = tpu.memref_slice %arg10[%dma_start3A_70, %add3A_69, %dma_start3A_71] : memref<6x4096x1024xf32, #tpu.memory_space<hbm>> -> memref<1x16x1024xf32, #tpu.memory_space<hbm>>
      %dma_start3A_73 = tpu.memref_squeeze %dma_start3A_72 : memref<1x16x1024xf32, #tpu.memory_space<hbm>> -> memref<16x1024xf32, #tpu.memory_space<hbm>>
      %dma_start3A_74 = arith.constant 0 : i32
      %dma_start3A_75 = tpu.memref_slice %arg10[%dma_start3A_70, %add3A_69, %dma_start3A_74] : memref<6x4096x1024xf32, #tpu.memory_space<hbm>> -> memref<1x16x1024xf32, #tpu.memory_space<hbm>>
      %dma_start3A_76 = tpu.memref_squeeze %dma_start3A_75 : memref<1x16x1024xf32, #tpu.memory_space<hbm>> -> memref<16x1024xf32, #tpu.memory_space<hbm>>
      tpu.enqueue_dma source(%arg14 : memref<16x1024xf32, #tpu.memory_space<vmem>>) target(%dma_start3A_76 : memref<16x1024xf32, #tpu.memory_space<hbm>>) target_semaphore(%arg26 : memref<!tpu.dma_semaphore, #tpu.memory_space<semaphore_mem>>)
      %gt3A_77 = arith.constant 0 : i32
      %gt3A_78 = arith.cmpi sgt, %scan3A_52, %gt3A_77 : i32
      %convert_element_type3A_79 = arith.extui %gt3A_78 : i1 to i32
      %cond3A_80 = arith.constant 0 : i32
      %cond3A_81 = arith.cmpi ne, %convert_element_type3A_79, %cond3A_80 : i32
      scf.if %cond3A_81 {
        %add3A_407 = arith.constant 0 : i32
        %add3A_408 = arith.addi %mul3A_2, %add3A_407 : i32
        %dma_wait3A_409 = arith.constant 0 : i32
        %dma_wait3A_410 = arith.constant 0 : i32
        %dma_wait3A_411 = tpu.memref_slice %arg10[%dma_wait3A_409, %add3A_408, %dma_wait3A_410] : memref<6x4096x1024xf32, #tpu.memory_space<hbm>> -> memref<1x16x1024xf32, #tpu.memory_space<hbm>>
        %dma_wait3A_412 = tpu.memref_squeeze %dma_wait3A_411 : memref<1x16x1024xf32, #tpu.memory_space<hbm>> -> memref<16x1024xf32, #tpu.memory_space<hbm>>
        %dma_wait3A_413 = arith.constant 0 : i32
        %dma_wait3A_414 = tpu.memref_slice %arg10[%dma_wait3A_409, %add3A_408, %dma_wait3A_413] : memref<6x4096x1024xf32, #tpu.memory_space<hbm>> -> memref<1x16x1024xf32, #tpu.memory_space<hbm>>
        %dma_wait3A_415 = tpu.memref_squeeze %dma_wait3A_414 : memref<1x16x1024xf32, #tpu.memory_space<hbm>> -> memref<16x1024xf32, #tpu.memory_space<hbm>>
        tpu.wait_dma2 semaphore(%arg29 : memref<!tpu.dma_semaphore, #tpu.memory_space<semaphore_mem>>) src(%arg17 : memref<16x1024xf32, #tpu.memory_space<vmem>>) dst(%dma_wait3A_415 : memref<16x1024xf32, #tpu.memory_space<hbm>>)
      } else {
      }
      %mul3A_82 = arith.constant 16 : i32
      %mul3A_83 = arith.muli %scan3A_52, %mul3A_82 : i32
      %dma_start3A_84 = tpu.memref_slice %arg13[%mul3A_83] : memref<128xi32, #tpu.memory_space<vmem>> -> memref<16xi32, #tpu.memory_space<vmem>>
      %dma_start3A_85 = arith.constant 0 : i32
      %dma_start3A_86 = arith.constant 0 : i32
      %dma_start3A_87 = tpu.memref_slice %arg2[%dma_start3A_85, %dma_start3A_86] : memref<64x1024xf32, #tpu.memory_space<hbm>> -> memref<64x1024xf32, #tpu.memory_space<hbm>>
      tpu.enqueue_indirect_dma source(%dma_start3A_87 : memref<64x1024xf32, #tpu.memory_space<hbm>>) target(%arg17 : memref<16x1024xf32, #tpu.memory_space<vmem>>) offsets(%dma_start3A_84 : memref<16xi32, #tpu.memory_space<vmem>>) semaphore(%arg23 : memref<!tpu.dma_semaphore, #tpu.memory_space<semaphore_mem>>)
      %mul3A_88 = arith.constant 16 : i32
      %mul3A_89 = arith.muli %scan3A_52, %mul3A_88 : i32
      %dma_wait3A_90 = tpu.memref_slice %arg12[%mul3A_89] : memref<128xi32, #tpu.memory_space<vmem>> -> memref<16xi32, #tpu.memory_space<vmem>>
      %dma_wait3A_91 = arith.constant 0 : i32
      %dma_wait3A_92 = arith.constant 0 : i32
      %dma_wait3A_93 = tpu.memref_slice %arg3[%dma_wait3A_91, %dma_wait3A_92] : memref<64x1024xf32, #tpu.memory_space<hbm>> -> memref<64x1024xf32, #tpu.memory_space<hbm>>
      tpu.wait_indirect_dma semaphore(%arg21 : memref<!tpu.dma_semaphore, #tpu.memory_space<semaphore_mem>>) src(%dma_wait3A_93 : memref<64x1024xf32, #tpu.memory_space<hbm>>) dst(%arg15 : memref<16x1024xf32, #tpu.memory_space<vmem>>)
      %mul3A_94 = arith.constant 16 : i32
      %mul3A_95 = arith.muli %scan3A_52, %mul3A_94 : i32
      %add3A_96 = arith.addi %mul3A_2, %mul3A_95 : i32
      %dma_start3A_97 = arith.constant 1 : i32
      %dma_start3A_98 = arith.constant 0 : i32
      %dma_start3A_99 = tpu.memref_slice %arg10[%dma_start3A_97, %add3A_96, %dma_start3A_98] : memref<6x4096x1024xf32, #tpu.memory_space<hbm>> -> memref<1x16x1024xf32, #tpu.memory_space<hbm>>
      %dma_start3A_100 = tpu.memref_squeeze %dma_start3A_99 : memref<1x16x1024xf32, #tpu.memory_space<hbm>> -> memref<16x1024xf32, #tpu.memory_space<hbm>>
      %dma_start3A_101 = arith.constant 0 : i32
      %dma_start3A_102 = tpu.memref_slice %arg10[%dma_start3A_97, %add3A_96, %dma_start3A_101] : memref<6x4096x1024xf32, #tpu.memory_space<hbm>> -> memref<1x16x1024xf32, #tpu.memory_space<hbm>>
      %dma_start3A_103 = tpu.memref_squeeze %dma_start3A_102 : memref<1x16x1024xf32, #tpu.memory_space<hbm>> -> memref<16x1024xf32, #tpu.memory_space<hbm>>
      tpu.enqueue_dma source(%arg15 : memref<16x1024xf32, #tpu.memory_space<vmem>>) target(%dma_start3A_103 : memref<16x1024xf32, #tpu.memory_space<hbm>>) target_semaphore(%arg27 : memref<!tpu.dma_semaphore, #tpu.memory_space<semaphore_mem>>)
      %gt3A_104 = arith.constant 0 : i32
      %gt3A_105 = arith.cmpi sgt, %scan3A_52, %gt3A_104 : i32
      %convert_element_type3A_106 = arith.extui %gt3A_105 : i1 to i32
      %cond3A_107 = arith.constant 0 : i32
      %cond3A_108 = arith.cmpi ne, %convert_element_type3A_106, %cond3A_107 : i32
      scf.if %cond3A_108 {
        %add3A_407 = arith.constant 0 : i32
        %add3A_408 = arith.addi %mul3A_2, %add3A_407 : i32
        %dma_wait3A_409 = arith.constant 0 : i32
        %dma_wait3A_410 = arith.constant 0 : i32
        %dma_wait3A_411 = tpu.memref_slice %arg10[%dma_wait3A_409, %add3A_408, %dma_wait3A_410] : memref<6x4096x1024xf32, #tpu.memory_space<hbm>> -> memref<1x16x1024xf32, #tpu.memory_space<hbm>>
        %dma_wait3A_412 = tpu.memref_squeeze %dma_wait3A_411 : memref<1x16x1024xf32, #tpu.memory_space<hbm>> -> memref<16x1024xf32, #tpu.memory_space<hbm>>
        %dma_wait3A_413 = arith.constant 0 : i32
        %dma_wait3A_414 = tpu.memref_slice %arg10[%dma_wait3A_409, %add3A_408, %dma_wait3A_413] : memref<6x4096x1024xf32, #tpu.memory_space<hbm>> -> memref<1x16x1024xf32, #tpu.memory_space<hbm>>
        %dma_wait3A_415 = tpu.memref_squeeze %dma_wait3A_414 : memref<1x16x1024xf32, #tpu.memory_space<hbm>> -> memref<16x1024xf32, #tpu.memory_space<hbm>>
        tpu.wait_dma2 semaphore(%arg30 : memref<!tpu.dma_semaphore, #tpu.memory_space<semaphore_mem>>) src(%arg18 : memref<16x1024xf32, #tpu.memory_space<vmem>>) dst(%dma_wait3A_415 : memref<16x1024xf32, #tpu.memory_space<hbm>>)
      } else {
      }
      %mul3A_109 = arith.constant 16 : i32
      %mul3A_110 = arith.muli %scan3A_52, %mul3A_109 : i32
      %dma_start3A_111 = tpu.memref_slice %arg13[%mul3A_110] : memref<128xi32, #tpu.memory_space<vmem>> -> memref<16xi32, #tpu.memory_space<vmem>>
      %dma_start3A_112 = arith.constant 0 : i32
      %dma_start3A_113 = arith.constant 0 : i32
      %dma_start3A_114 = tpu.memref_slice %arg3[%dma_start3A_112, %dma_start3A_113] : memref<64x1024xf32, #tpu.memory_space<hbm>> -> memref<64x1024xf32, #tpu.memory_space<hbm>>
      tpu.enqueue_indirect_dma source(%dma_start3A_114 : memref<64x1024xf32, #tpu.memory_space<hbm>>) target(%arg18 : memref<16x1024xf32, #tpu.memory_space<vmem>>) offsets(%dma_start3A_111 : memref<16xi32, #tpu.memory_space<vmem>>) semaphore(%arg24 : memref<!tpu.dma_semaphore, #tpu.memory_space<semaphore_mem>>)
      %mul3A_115 = arith.constant 16 : i32
      %mul3A_116 = arith.muli %scan3A_52, %mul3A_115 : i32
      %dma_wait3A_117 = tpu.memref_slice %arg12[%mul3A_116] : memref<128xi32, #tpu.memory_space<vmem>> -> memref<16xi32, #tpu.memory_space<vmem>>
      %dma_wait3A_118 = arith.constant 0 : i32
      %dma_wait3A_119 = arith.constant 0 : i32
      %dma_wait3A_120 = tpu.memref_slice %arg4[%dma_wait3A_118, %dma_wait3A_119] : memref<64x1024xf32, #tpu.memory_space<hbm>> -> memref<64x1024xf32, #tpu.memory_space<hbm>>
      tpu.wait_indirect_dma semaphore(%arg22 : memref<!tpu.dma_semaphore, #tpu.memory_space<semaphore_mem>>) src(%dma_wait3A_120 : memref<64x1024xf32, #tpu.memory_space<hbm>>) dst(%arg16 : memref<16x1024xf32, #tpu.memory_space<vmem>>)
      %mul3A_121 = arith.constant 16 : i32
      %mul3A_122 = arith.muli %scan3A_52, %mul3A_121 : i32
      %add3A_123 = arith.addi %mul3A_2, %mul3A_122 : i32
      %dma_start3A_124 = arith.constant 2 : i32
      %dma_start3A_125 = arith.constant 0 : i32
      %dma_start3A_126 = tpu.memref_slice %arg10[%dma_start3A_124, %add3A_123, %dma_start3A_125] : memref<6x4096x1024xf32, #tpu.memory_space<hbm>> -> memref<1x16x1024xf32, #tpu.memory_space<hbm>>
      %dma_start3A_127 = tpu.memref_squeeze %dma_start3A_126 : memref<1x16x1024xf32, #tpu.memory_space<hbm>> -> memref<16x1024xf32, #tpu.memory_space<hbm>>
      %dma_start3A_128 = arith.constant 0 : i32
      %dma_start3A_129 = tpu.memref_slice %arg10[%dma_start3A_124, %add3A_123, %dma_start3A_128] : memref<6x4096x1024xf32, #tpu.memory_space<hbm>> -> memref<1x16x1024xf32, #tpu.memory_space<hbm>>
      %dma_start3A_130 = tpu.memref_squeeze %dma_start3A_129 : memref<1x16x1024xf32, #tpu.memory_space<hbm>> -> memref<16x1024xf32, #tpu.memory_space<hbm>>
      tpu.enqueue_dma source(%arg16 : memref<16x1024xf32, #tpu.memory_space<vmem>>) target(%dma_start3A_130 : memref<16x1024xf32, #tpu.memory_space<hbm>>) target_semaphore(%arg28 : memref<!tpu.dma_semaphore, #tpu.memory_space<semaphore_mem>>)
      %gt3A_131 = arith.constant 0 : i32
      %gt3A_132 = arith.cmpi sgt, %scan3A_52, %gt3A_131 : i32
      %convert_element_type3A_133 = arith.extui %gt3A_132 : i1 to i32
      %cond3A_134 = arith.constant 0 : i32
      %cond3A_135 = arith.cmpi ne, %convert_element_type3A_133, %cond3A_134 : i32
      scf.if %cond3A_135 {
        %add3A_407 = arith.constant 0 : i32
        %add3A_408 = arith.addi %mul3A_2, %add3A_407 : i32
        %dma_wait3A_409 = arith.constant 0 : i32
        %dma_wait3A_410 = arith.constant 0 : i32
        %dma_wait3A_411 = tpu.memref_slice %arg10[%dma_wait3A_409, %add3A_408, %dma_wait3A_410] : memref<6x4096x1024xf32, #tpu.memory_space<hbm>> -> memref<1x16x1024xf32, #tpu.memory_space<hbm>>
        %dma_wait3A_412 = tpu.memref_squeeze %dma_wait3A_411 : memref<1x16x1024xf32, #tpu.memory_space<hbm>> -> memref<16x1024xf32, #tpu.memory_space<hbm>>
        %dma_wait3A_413 = arith.constant 0 : i32
        %dma_wait3A_414 = tpu.memref_slice %arg10[%dma_wait3A_409, %add3A_408, %dma_wait3A_413] : memref<6x4096x1024xf32, #tpu.memory_space<hbm>> -> memref<1x16x1024xf32, #tpu.memory_space<hbm>>
        %dma_wait3A_415 = tpu.memref_squeeze %dma_wait3A_414 : memref<1x16x1024xf32, #tpu.memory_space<hbm>> -> memref<16x1024xf32, #tpu.memory_space<hbm>>
        tpu.wait_dma2 semaphore(%arg31 : memref<!tpu.dma_semaphore, #tpu.memory_space<semaphore_mem>>) src(%arg19 : memref<16x1024xf32, #tpu.memory_space<vmem>>) dst(%dma_wait3A_415 : memref<16x1024xf32, #tpu.memory_space<hbm>>)
      } else {
      }
      %mul3A_136 = arith.constant 16 : i32
      %mul3A_137 = arith.muli %scan3A_52, %mul3A_136 : i32
      %dma_start3A_138 = tpu.memref_slice %arg13[%mul3A_137] : memref<128xi32, #tpu.memory_space<vmem>> -> memref<16xi32, #tpu.memory_space<vmem>>
      %dma_start3A_139 = arith.constant 0 : i32
      %dma_start3A_140 = arith.constant 0 : i32
      %dma_start3A_141 = tpu.memref_slice %arg4[%dma_start3A_139, %dma_start3A_140] : memref<64x1024xf32, #tpu.memory_space<hbm>> -> memref<64x1024xf32, #tpu.memory_space<hbm>>
      tpu.enqueue_indirect_dma source(%dma_start3A_141 : memref<64x1024xf32, #tpu.memory_space<hbm>>) target(%arg19 : memref<16x1024xf32, #tpu.memory_space<vmem>>) offsets(%dma_start3A_138 : memref<16xi32, #tpu.memory_space<vmem>>) semaphore(%arg25 : memref<!tpu.dma_semaphore, #tpu.memory_space<semaphore_mem>>)
      %mul3A_142 = arith.constant 16 : i32
      %mul3A_143 = arith.muli %scan3A_52, %mul3A_142 : i32
      %dma_wait3A_144 = tpu.memref_slice %arg13[%mul3A_143] : memref<128xi32, #tpu.memory_space<vmem>> -> memref<16xi32, #tpu.memory_space<vmem>>
      %dma_wait3A_145 = arith.constant 0 : i32
      %dma_wait3A_146 = arith.constant 0 : i32
      %dma_wait3A_147 = tpu.memref_slice %arg2[%dma_wait3A_145, %dma_wait3A_146] : memref<64x1024xf32, #tpu.memory_space<hbm>> -> memref<64x1024xf32, #tpu.memory_space<hbm>>
      tpu.wait_indirect_dma semaphore(%arg23 : memref<!tpu.dma_semaphore, #tpu.memory_space<semaphore_mem>>) src(%dma_wait3A_147 : memref<64x1024xf32, #tpu.memory_space<hbm>>) dst(%arg17 : memref<16x1024xf32, #tpu.memory_space<vmem>>)
      %mul3A_148 = arith.constant 16 : i32
      %mul3A_149 = arith.muli %scan3A_52, %mul3A_148 : i32
      %add3A_150 = arith.addi %mul3A_2, %mul3A_149 : i32
      %dma_start3A_151 = arith.constant 3 : i32
      %dma_start3A_152 = arith.constant 0 : i32
      %dma_start3A_153 = tpu.memref_slice %arg10[%dma_start3A_151, %add3A_150, %dma_start3A_152] : memref<6x4096x1024xf32, #tpu.memory_space<hbm>> -> memref<1x16x1024xf32, #tpu.memory_space<hbm>>
      %dma_start3A_154 = tpu.memref_squeeze %dma_start3A_153 : memref<1x16x1024xf32, #tpu.memory_space<hbm>> -> memref<16x1024xf32, #tpu.memory_space<hbm>>
      %dma_start3A_155 = arith.constant 0 : i32
      %dma_start3A_156 = tpu.memref_slice %arg10[%dma_start3A_151, %add3A_150, %dma_start3A_155] : memref<6x4096x1024xf32, #tpu.memory_space<hbm>> -> memref<1x16x1024xf32, #tpu.memory_space<hbm>>
      %dma_start3A_157 = tpu.memref_squeeze %dma_start3A_156 : memref<1x16x1024xf32, #tpu.memory_space<hbm>> -> memref<16x1024xf32, #tpu.memory_space<hbm>>
      tpu.enqueue_dma source(%arg17 : memref<16x1024xf32, #tpu.memory_space<vmem>>) target(%dma_start3A_157 : memref<16x1024xf32, #tpu.memory_space<hbm>>) target_semaphore(%arg29 : memref<!tpu.dma_semaphore, #tpu.memory_space<semaphore_mem>>)
      %add3A_158 = arith.constant 0 : i32
      %add3A_159 = arith.addi %mul3A_2, %add3A_158 : i32
      %dma_wait3A_160 = arith.constant 0 : i32
      %dma_wait3A_161 = arith.constant 0 : i32
      %dma_wait3A_162 = tpu.memref_slice %arg10[%dma_wait3A_160, %add3A_159, %dma_wait3A_161] : memref<6x4096x1024xf32, #tpu.memory_space<hbm>> -> memref<1x16x1024xf32, #tpu.memory_space<hbm>>
      %dma_wait3A_163 = tpu.memref_squeeze %dma_wait3A_162 : memref<1x16x1024xf32, #tpu.memory_space<hbm>> -> memref<16x1024xf32, #tpu.memory_space<hbm>>
      %dma_wait3A_164 = arith.constant 0 : i32
      %dma_wait3A_165 = tpu.memref_slice %arg10[%dma_wait3A_160, %add3A_159, %dma_wait3A_164] : memref<6x4096x1024xf32, #tpu.memory_space<hbm>> -> memref<1x16x1024xf32, #tpu.memory_space<hbm>>
      %dma_wait3A_166 = tpu.memref_squeeze %dma_wait3A_165 : memref<1x16x1024xf32, #tpu.memory_space<hbm>> -> memref<16x1024xf32, #tpu.memory_space<hbm>>
      tpu.wait_dma2 semaphore(%arg26 : memref<!tpu.dma_semaphore, #tpu.memory_space<semaphore_mem>>) src(%arg14 : memref<16x1024xf32, #tpu.memory_space<vmem>>) dst(%dma_wait3A_166 : memref<16x1024xf32, #tpu.memory_space<hbm>>)
      %mul3A_167 = arith.constant 16 : i32
      %mul3A_168 = arith.muli %scan3A_52, %mul3A_167 : i32
      %dma_start3A_169 = tpu.memref_slice %arg12[%mul3A_168] : memref<128xi32, #tpu.memory_space<vmem>> -> memref<16xi32, #tpu.memory_space<vmem>>
      %dma_start3A_170 = arith.constant 0 : i32
      %dma_start3A_171 = arith.constant 0 : i32
      %dma_start3A_172 = tpu.memref_slice %arg5[%dma_start3A_170, %dma_start3A_171] : memref<64x1024xf32, #tpu.memory_space<hbm>> -> memref<64x1024xf32, #tpu.memory_space<hbm>>
      tpu.enqueue_indirect_dma source(%dma_start3A_172 : memref<64x1024xf32, #tpu.memory_space<hbm>>) target(%arg14 : memref<16x1024xf32, #tpu.memory_space<vmem>>) offsets(%dma_start3A_169 : memref<16xi32, #tpu.memory_space<vmem>>) semaphore(%arg20 : memref<!tpu.dma_semaphore, #tpu.memory_space<semaphore_mem>>)
      %mul3A_173 = arith.constant 16 : i32
      %mul3A_174 = arith.muli %scan3A_52, %mul3A_173 : i32
      %dma_wait3A_175 = tpu.memref_slice %arg13[%mul3A_174] : memref<128xi32, #tpu.memory_space<vmem>> -> memref<16xi32, #tpu.memory_space<vmem>>
      %dma_wait3A_176 = arith.constant 0 : i32
      %dma_wait3A_177 = arith.constant 0 : i32
      %dma_wait3A_178 = tpu.memref_slice %arg3[%dma_wait3A_176, %dma_wait3A_177] : memref<64x1024xf32, #tpu.memory_space<hbm>> -> memref<64x1024xf32, #tpu.memory_space<hbm>>
      tpu.wait_indirect_dma semaphore(%arg24 : memref<!tpu.dma_semaphore, #tpu.memory_space<semaphore_mem>>) src(%dma_wait3A_178 : memref<64x1024xf32, #tpu.memory_space<hbm>>) dst(%arg18 : memref<16x1024xf32, #tpu.memory_space<vmem>>)
      %mul3A_179 = arith.constant 16 : i32
      %mul3A_180 = arith.muli %scan3A_52, %mul3A_179 : i32
      %add3A_181 = arith.addi %mul3A_2, %mul3A_180 : i32
      %dma_start3A_182 = arith.constant 4 : i32
      %dma_start3A_183 = arith.constant 0 : i32
      %dma_start3A_184 = tpu.memref_slice %arg10[%dma_start3A_182, %add3A_181, %dma_start3A_183] : memref<6x4096x1024xf32, #tpu.memory_space<hbm>> -> memref<1x16x1024xf32, #tpu.memory_space<hbm>>
      %dma_start3A_185 = tpu.memref_squeeze %dma_start3A_184 : memref<1x16x1024xf32, #tpu.memory_space<hbm>> -> memref<16x1024xf32, #tpu.memory_space<hbm>>
      %dma_start3A_186 = arith.constant 0 : i32
      %dma_start3A_187 = tpu.memref_slice %arg10[%dma_start3A_182, %add3A_181, %dma_start3A_186] : memref<6x4096x1024xf32, #tpu.memory_space<hbm>> -> memref<1x16x1024xf32, #tpu.memory_space<hbm>>
      %dma_start3A_188 = tpu.memref_squeeze %dma_start3A_187 : memref<1x16x1024xf32, #tpu.memory_space<hbm>> -> memref<16x1024xf32, #tpu.memory_space<hbm>>
      tpu.enqueue_dma source(%arg18 : memref<16x1024xf32, #tpu.memory_space<vmem>>) target(%dma_start3A_188 : memref<16x1024xf32, #tpu.memory_space<hbm>>) target_semaphore(%arg30 : memref<!tpu.dma_semaphore, #tpu.memory_space<semaphore_mem>>)
      %add3A_189 = arith.constant 0 : i32
      %add3A_190 = arith.addi %mul3A_2, %add3A_189 : i32
      %dma_wait3A_191 = arith.constant 0 : i32
      %dma_wait3A_192 = arith.constant 0 : i32
      %dma_wait3A_193 = tpu.memref_slice %arg10[%dma_wait3A_191, %add3A_190, %dma_wait3A_192] : memref<6x4096x1024xf32, #tpu.memory_space<hbm>> -> memref<1x16x1024xf32, #tpu.memory_space<hbm>>
      %dma_wait3A_194 = tpu.memref_squeeze %dma_wait3A_193 : memref<1x16x1024xf32, #tpu.memory_space<hbm>> -> memref<16x1024xf32, #tpu.memory_space<hbm>>
      %dma_wait3A_195 = arith.constant 0 : i32
      %dma_wait3A_196 = tpu.memref_slice %arg10[%dma_wait3A_191, %add3A_190, %dma_wait3A_195] : memref<6x4096x1024xf32, #tpu.memory_space<hbm>> -> memref<1x16x1024xf32, #tpu.memory_space<hbm>>
      %dma_wait3A_197 = tpu.memref_squeeze %dma_wait3A_196 : memref<1x16x1024xf32, #tpu.memory_space<hbm>> -> memref<16x1024xf32, #tpu.memory_space<hbm>>
      tpu.wait_dma2 semaphore(%arg27 : memref<!tpu.dma_semaphore, #tpu.memory_space<semaphore_mem>>) src(%arg15 : memref<16x1024xf32, #tpu.memory_space<vmem>>) dst(%dma_wait3A_197 : memref<16x1024xf32, #tpu.memory_space<hbm>>)
      %mul3A_198 = arith.constant 16 : i32
      %mul3A_199 = arith.muli %scan3A_52, %mul3A_198 : i32
      %dma_start3A_200 = tpu.memref_slice %arg12[%mul3A_199] : memref<128xi32, #tpu.memory_space<vmem>> -> memref<16xi32, #tpu.memory_space<vmem>>
      %dma_start3A_201 = arith.constant 0 : i32
      %dma_start3A_202 = arith.constant 0 : i32
      %dma_start3A_203 = tpu.memref_slice %arg6[%dma_start3A_201, %dma_start3A_202] : memref<64x1024xf32, #tpu.memory_space<hbm>> -> memref<64x1024xf32, #tpu.memory_space<hbm>>
      tpu.enqueue_indirect_dma source(%dma_start3A_203 : memref<64x1024xf32, #tpu.memory_space<hbm>>) target(%arg15 : memref<16x1024xf32, #tpu.memory_space<vmem>>) offsets(%dma_start3A_200 : memref<16xi32, #tpu.memory_space<vmem>>) semaphore(%arg21 : memref<!tpu.dma_semaphore, #tpu.memory_space<semaphore_mem>>)
      %mul3A_204 = arith.constant 16 : i32
      %mul3A_205 = arith.muli %scan3A_52, %mul3A_204 : i32
      %dma_wait3A_206 = tpu.memref_slice %arg13[%mul3A_205] : memref<128xi32, #tpu.memory_space<vmem>> -> memref<16xi32, #tpu.memory_space<vmem>>
      %dma_wait3A_207 = arith.constant 0 : i32
      %dma_wait3A_208 = arith.constant 0 : i32
      %dma_wait3A_209 = tpu.memref_slice %arg4[%dma_wait3A_207, %dma_wait3A_208] : memref<64x1024xf32, #tpu.memory_space<hbm>> -> memref<64x1024xf32, #tpu.memory_space<hbm>>
      tpu.wait_indirect_dma semaphore(%arg25 : memref<!tpu.dma_semaphore, #tpu.memory_space<semaphore_mem>>) src(%dma_wait3A_209 : memref<64x1024xf32, #tpu.memory_space<hbm>>) dst(%arg19 : memref<16x1024xf32, #tpu.memory_space<vmem>>)
      %mul3A_210 = arith.constant 16 : i32
      %mul3A_211 = arith.muli %scan3A_52, %mul3A_210 : i32
      %add3A_212 = arith.addi %mul3A_2, %mul3A_211 : i32
      %dma_start3A_213 = arith.constant 5 : i32
      %dma_start3A_214 = arith.constant 0 : i32
      %dma_start3A_215 = tpu.memref_slice %arg10[%dma_start3A_213, %add3A_212, %dma_start3A_214] : memref<6x4096x1024xf32, #tpu.memory_space<hbm>> -> memref<1x16x1024xf32, #tpu.memory_space<hbm>>
      %dma_start3A_216 = tpu.memref_squeeze %dma_start3A_215 : memref<1x16x1024xf32, #tpu.memory_space<hbm>> -> memref<16x1024xf32, #tpu.memory_space<hbm>>
      %dma_start3A_217 = arith.constant 0 : i32
      %dma_start3A_218 = tpu.memref_slice %arg10[%dma_start3A_213, %add3A_212, %dma_start3A_217] : memref<6x4096x1024xf32, #tpu.memory_space<hbm>> -> memref<1x16x1024xf32, #tpu.memory_space<hbm>>
      %dma_start3A_219 = tpu.memref_squeeze %dma_start3A_218 : memref<1x16x1024xf32, #tpu.memory_space<hbm>> -> memref<16x1024xf32, #tpu.memory_space<hbm>>
      tpu.enqueue_dma source(%arg19 : memref<16x1024xf32, #tpu.memory_space<vmem>>) target(%dma_start3A_219 : memref<16x1024xf32, #tpu.memory_space<hbm>>) target_semaphore(%arg31 : memref<!tpu.dma_semaphore, #tpu.memory_space<semaphore_mem>>)
      %add3A_220 = arith.constant 0 : i32
      %add3A_221 = arith.addi %mul3A_2, %add3A_220 : i32
      %dma_wait3A_222 = arith.constant 0 : i32
      %dma_wait3A_223 = arith.constant 0 : i32
      %dma_wait3A_224 = tpu.memref_slice %arg10[%dma_wait3A_222, %add3A_221, %dma_wait3A_223] : memref<6x4096x1024xf32, #tpu.memory_space<hbm>> -> memref<1x16x1024xf32, #tpu.memory_space<hbm>>
      %dma_wait3A_225 = tpu.memref_squeeze %dma_wait3A_224 : memref<1x16x1024xf32, #tpu.memory_space<hbm>> -> memref<16x1024xf32, #tpu.memory_space<hbm>>
      %dma_wait3A_226 = arith.constant 0 : i32
      %dma_wait3A_227 = tpu.memref_slice %arg10[%dma_wait3A_222, %add3A_221, %dma_wait3A_226] : memref<6x4096x1024xf32, #tpu.memory_space<hbm>> -> memref<1x16x1024xf32, #tpu.memory_space<hbm>>
      %dma_wait3A_228 = tpu.memref_squeeze %dma_wait3A_227 : memref<1x16x1024xf32, #tpu.memory_space<hbm>> -> memref<16x1024xf32, #tpu.memory_space<hbm>>
      tpu.wait_dma2 semaphore(%arg28 : memref<!tpu.dma_semaphore, #tpu.memory_space<semaphore_mem>>) src(%arg16 : memref<16x1024xf32, #tpu.memory_space<vmem>>) dst(%dma_wait3A_228 : memref<16x1024xf32, #tpu.memory_space<hbm>>)
      %mul3A_229 = arith.constant 16 : i32
      %mul3A_230 = arith.muli %scan3A_52, %mul3A_229 : i32
      %dma_start3A_231 = tpu.memref_slice %arg12[%mul3A_230] : memref<128xi32, #tpu.memory_space<vmem>> -> memref<16xi32, #tpu.memory_space<vmem>>
      %dma_start3A_232 = arith.constant 0 : i32
      %dma_start3A_233 = arith.constant 0 : i32
      %dma_start3A_234 = tpu.memref_slice %arg7[%dma_start3A_232, %dma_start3A_233] : memref<64x1024xf32, #tpu.memory_space<hbm>> -> memref<64x1024xf32, #tpu.memory_space<hbm>>
      tpu.enqueue_indirect_dma source(%dma_start3A_234 : memref<64x1024xf32, #tpu.memory_space<hbm>>) target(%arg16 : memref<16x1024xf32, #tpu.memory_space<vmem>>) offsets(%dma_start3A_231 : memref<16xi32, #tpu.memory_space<vmem>>) semaphore(%arg22 : memref<!tpu.dma_semaphore, #tpu.memory_space<semaphore_mem>>)
      %mul3A_235 = arith.constant 16 : i32
      %mul3A_236 = arith.muli %scan3A_52, %mul3A_235 : i32
      %dma_wait3A_237 = tpu.memref_slice %arg12[%mul3A_236] : memref<128xi32, #tpu.memory_space<vmem>> -> memref<16xi32, #tpu.memory_space<vmem>>
      %dma_wait3A_238 = arith.constant 0 : i32
      %dma_wait3A_239 = arith.constant 0 : i32
      %dma_wait3A_240 = tpu.memref_slice %arg5[%dma_wait3A_238, %dma_wait3A_239] : memref<64x1024xf32, #tpu.memory_space<hbm>> -> memref<64x1024xf32, #tpu.memory_space<hbm>>
      tpu.wait_indirect_dma semaphore(%arg20 : memref<!tpu.dma_semaphore, #tpu.memory_space<semaphore_mem>>) src(%dma_wait3A_240 : memref<64x1024xf32, #tpu.memory_space<hbm>>) dst(%arg14 : memref<16x1024xf32, #tpu.memory_space<vmem>>)
      %mul3A_241 = arith.constant 16 : i32
      %mul3A_242 = arith.muli %scan3A_52, %mul3A_241 : i32
      %add3A_243 = arith.addi %mul3A_2, %mul3A_242 : i32
      %dma_start3A_244 = arith.constant 0 : i32
      %dma_start3A_245 = arith.constant 0 : i32
      %dma_start3A_246 = tpu.memref_slice %arg11[%dma_start3A_244, %add3A_243, %dma_start3A_245] : memref<6x4096x1024xf32, #tpu.memory_space<hbm>> -> memref<1x16x1024xf32, #tpu.memory_space<hbm>>
      %dma_start3A_247 = tpu.memref_squeeze %dma_start3A_246 : memref<1x16x1024xf32, #tpu.memory_space<hbm>> -> memref<16x1024xf32, #tpu.memory_space<hbm>>
      %dma_start3A_248 = arith.constant 0 : i32
      %dma_start3A_249 = tpu.memref_slice %arg11[%dma_start3A_244, %add3A_243, %dma_start3A_248] : memref<6x4096x1024xf32, #tpu.memory_space<hbm>> -> memref<1x16x1024xf32, #tpu.memory_space<hbm>>
      %dma_start3A_250 = tpu.memref_squeeze %dma_start3A_249 : memref<1x16x1024xf32, #tpu.memory_space<hbm>> -> memref<16x1024xf32, #tpu.memory_space<hbm>>
      tpu.enqueue_dma source(%arg14 : memref<16x1024xf32, #tpu.memory_space<vmem>>) target(%dma_start3A_250 : memref<16x1024xf32, #tpu.memory_space<hbm>>) target_semaphore(%arg26 : memref<!tpu.dma_semaphore, #tpu.memory_space<semaphore_mem>>)
      %add3A_251 = arith.constant 0 : i32
      %add3A_252 = arith.addi %mul3A_2, %add3A_251 : i32
      %dma_wait3A_253 = arith.constant 0 : i32
      %dma_wait3A_254 = arith.constant 0 : i32
      %dma_wait3A_255 = tpu.memref_slice %arg10[%dma_wait3A_253, %add3A_252, %dma_wait3A_254] : memref<6x4096x1024xf32, #tpu.memory_space<hbm>> -> memref<1x16x1024xf32, #tpu.memory_space<hbm>>
      %dma_wait3A_256 = tpu.memref_squeeze %dma_wait3A_255 : memref<1x16x1024xf32, #tpu.memory_space<hbm>> -> memref<16x1024xf32, #tpu.memory_space<hbm>>
      %dma_wait3A_257 = arith.constant 0 : i32
      %dma_wait3A_258 = tpu.memref_slice %arg10[%dma_wait3A_253, %add3A_252, %dma_wait3A_257] : memref<6x4096x1024xf32, #tpu.memory_space<hbm>> -> memref<1x16x1024xf32, #tpu.memory_space<hbm>>
      %dma_wait3A_259 = tpu.memref_squeeze %dma_wait3A_258 : memref<1x16x1024xf32, #tpu.memory_space<hbm>> -> memref<16x1024xf32, #tpu.memory_space<hbm>>
      tpu.wait_dma2 semaphore(%arg29 : memref<!tpu.dma_semaphore, #tpu.memory_space<semaphore_mem>>) src(%arg17 : memref<16x1024xf32, #tpu.memory_space<vmem>>) dst(%dma_wait3A_259 : memref<16x1024xf32, #tpu.memory_space<hbm>>)
      %mul3A_260 = arith.constant 16 : i32
      %mul3A_261 = arith.muli %scan3A_52, %mul3A_260 : i32
      %dma_start3A_262 = tpu.memref_slice %arg13[%mul3A_261] : memref<128xi32, #tpu.memory_space<vmem>> -> memref<16xi32, #tpu.memory_space<vmem>>
      %dma_start3A_263 = arith.constant 0 : i32
      %dma_start3A_264 = arith.constant 0 : i32
      %dma_start3A_265 = tpu.memref_slice %arg5[%dma_start3A_263, %dma_start3A_264] : memref<64x1024xf32, #tpu.memory_space<hbm>> -> memref<64x1024xf32, #tpu.memory_space<hbm>>
      tpu.enqueue_indirect_dma source(%dma_start3A_265 : memref<64x1024xf32, #tpu.memory_space<hbm>>) target(%arg17 : memref<16x1024xf32, #tpu.memory_space<vmem>>) offsets(%dma_start3A_262 : memref<16xi32, #tpu.memory_space<vmem>>) semaphore(%arg23 : memref<!tpu.dma_semaphore, #tpu.memory_space<semaphore_mem>>)
      %mul3A_266 = arith.constant 16 : i32
      %mul3A_267 = arith.muli %scan3A_52, %mul3A_266 : i32
      %dma_wait3A_268 = tpu.memref_slice %arg12[%mul3A_267] : memref<128xi32, #tpu.memory_space<vmem>> -> memref<16xi32, #tpu.memory_space<vmem>>
      %dma_wait3A_269 = arith.constant 0 : i32
      %dma_wait3A_270 = arith.constant 0 : i32
      %dma_wait3A_271 = tpu.memref_slice %arg6[%dma_wait3A_269, %dma_wait3A_270] : memref<64x1024xf32, #tpu.memory_space<hbm>> -> memref<64x1024xf32, #tpu.memory_space<hbm>>
      tpu.wait_indirect_dma semaphore(%arg21 : memref<!tpu.dma_semaphore, #tpu.memory_space<semaphore_mem>>) src(%dma_wait3A_271 : memref<64x1024xf32, #tpu.memory_space<hbm>>) dst(%arg15 : memref<16x1024xf32, #tpu.memory_space<vmem>>)
      %mul3A_272 = arith.constant 16 : i32
      %mul3A_273 = arith.muli %scan3A_52, %mul3A_272 : i32
      %add3A_274 = arith.addi %mul3A_2, %mul3A_273 : i32
      %dma_start3A_275 = arith.constant 1 : i32
      %dma_start3A_276 = arith.constant 0 : i32
      %dma_start3A_277 = tpu.memref_slice %arg11[%dma_start3A_275, %add3A_274, %dma_start3A_276] : memref<6x4096x1024xf32, #tpu.memory_space<hbm>> -> memref<1x16x1024xf32, #tpu.memory_space<hbm>>
      %dma_start3A_278 = tpu.memref_squeeze %dma_start3A_277 : memref<1x16x1024xf32, #tpu.memory_space<hbm>> -> memref<16x1024xf32, #tpu.memory_space<hbm>>
      %dma_start3A_279 = arith.constant 0 : i32
      %dma_start3A_280 = tpu.memref_slice %arg11[%dma_start3A_275, %add3A_274, %dma_start3A_279] : memref<6x4096x1024xf32, #tpu.memory_space<hbm>> -> memref<1x16x1024xf32, #tpu.memory_space<hbm>>
      %dma_start3A_281 = tpu.memref_squeeze %dma_start3A_280 : memref<1x16x1024xf32, #tpu.memory_space<hbm>> -> memref<16x1024xf32, #tpu.memory_space<hbm>>
      tpu.enqueue_dma source(%arg15 : memref<16x1024xf32, #tpu.memory_space<vmem>>) target(%dma_start3A_281 : memref<16x1024xf32, #tpu.memory_space<hbm>>) target_semaphore(%arg27 : memref<!tpu.dma_semaphore, #tpu.memory_space<semaphore_mem>>)
      %add3A_282 = arith.constant 0 : i32
      %add3A_283 = arith.addi %mul3A_2, %add3A_282 : i32
      %dma_wait3A_284 = arith.constant 0 : i32
      %dma_wait3A_285 = arith.constant 0 : i32
      %dma_wait3A_286 = tpu.memref_slice %arg10[%dma_wait3A_284, %add3A_283, %dma_wait3A_285] : memref<6x4096x1024xf32, #tpu.memory_space<hbm>> -> memref<1x16x1024xf32, #tpu.memory_space<hbm>>
      %dma_wait3A_287 = tpu.memref_squeeze %dma_wait3A_286 : memref<1x16x1024xf32, #tpu.memory_space<hbm>> -> memref<16x1024xf32, #tpu.memory_space<hbm>>
      %dma_wait3A_288 = arith.constant 0 : i32
      %dma_wait3A_289 = tpu.memref_slice %arg10[%dma_wait3A_284, %add3A_283, %dma_wait3A_288] : memref<6x4096x1024xf32, #tpu.memory_space<hbm>> -> memref<1x16x1024xf32, #tpu.memory_space<hbm>>
      %dma_wait3A_290 = tpu.memref_squeeze %dma_wait3A_289 : memref<1x16x1024xf32, #tpu.memory_space<hbm>> -> memref<16x1024xf32, #tpu.memory_space<hbm>>
      tpu.wait_dma2 semaphore(%arg30 : memref<!tpu.dma_semaphore, #tpu.memory_space<semaphore_mem>>) src(%arg18 : memref<16x1024xf32, #tpu.memory_space<vmem>>) dst(%dma_wait3A_290 : memref<16x1024xf32, #tpu.memory_space<hbm>>)
      %mul3A_291 = arith.constant 16 : i32
      %mul3A_292 = arith.muli %scan3A_52, %mul3A_291 : i32
      %dma_start3A_293 = tpu.memref_slice %arg13[%mul3A_292] : memref<128xi32, #tpu.memory_space<vmem>> -> memref<16xi32, #tpu.memory_space<vmem>>
      %dma_start3A_294 = arith.constant 0 : i32
      %dma_start3A_295 = arith.constant 0 : i32
      %dma_start3A_296 = tpu.memref_slice %arg6[%dma_start3A_294, %dma_start3A_295] : memref<64x1024xf32, #tpu.memory_space<hbm>> -> memref<64x1024xf32, #tpu.memory_space<hbm>>
      tpu.enqueue_indirect_dma source(%dma_start3A_296 : memref<64x1024xf32, #tpu.memory_space<hbm>>) target(%arg18 : memref<16x1024xf32, #tpu.memory_space<vmem>>) offsets(%dma_start3A_293 : memref<16xi32, #tpu.memory_space<vmem>>) semaphore(%arg24 : memref<!tpu.dma_semaphore, #tpu.memory_space<semaphore_mem>>)
      %mul3A_297 = arith.constant 16 : i32
      %mul3A_298 = arith.muli %scan3A_52, %mul3A_297 : i32
      %dma_wait3A_299 = tpu.memref_slice %arg12[%mul3A_298] : memref<128xi32, #tpu.memory_space<vmem>> -> memref<16xi32, #tpu.memory_space<vmem>>
      %dma_wait3A_300 = arith.constant 0 : i32
      %dma_wait3A_301 = arith.constant 0 : i32
      %dma_wait3A_302 = tpu.memref_slice %arg7[%dma_wait3A_300, %dma_wait3A_301] : memref<64x1024xf32, #tpu.memory_space<hbm>> -> memref<64x1024xf32, #tpu.memory_space<hbm>>
      tpu.wait_indirect_dma semaphore(%arg22 : memref<!tpu.dma_semaphore, #tpu.memory_space<semaphore_mem>>) src(%dma_wait3A_302 : memref<64x1024xf32, #tpu.memory_space<hbm>>) dst(%arg16 : memref<16x1024xf32, #tpu.memory_space<vmem>>)
      %mul3A_303 = arith.constant 16 : i32
      %mul3A_304 = arith.muli %scan3A_52, %mul3A_303 : i32
      %add3A_305 = arith.addi %mul3A_2, %mul3A_304 : i32
      %dma_start3A_306 = arith.constant 2 : i32
      %dma_start3A_307 = arith.constant 0 : i32
      %dma_start3A_308 = tpu.memref_slice %arg11[%dma_start3A_306, %add3A_305, %dma_start3A_307] : memref<6x4096x1024xf32, #tpu.memory_space<hbm>> -> memref<1x16x1024xf32, #tpu.memory_space<hbm>>
      %dma_start3A_309 = tpu.memref_squeeze %dma_start3A_308 : memref<1x16x1024xf32, #tpu.memory_space<hbm>> -> memref<16x1024xf32, #tpu.memory_space<hbm>>
      %dma_start3A_310 = arith.constant 0 : i32
      %dma_start3A_311 = tpu.memref_slice %arg11[%dma_start3A_306, %add3A_305, %dma_start3A_310] : memref<6x4096x1024xf32, #tpu.memory_space<hbm>> -> memref<1x16x1024xf32, #tpu.memory_space<hbm>>
      %dma_start3A_312 = tpu.memref_squeeze %dma_start3A_311 : memref<1x16x1024xf32, #tpu.memory_space<hbm>> -> memref<16x1024xf32, #tpu.memory_space<hbm>>
      tpu.enqueue_dma source(%arg16 : memref<16x1024xf32, #tpu.memory_space<vmem>>) target(%dma_start3A_312 : memref<16x1024xf32, #tpu.memory_space<hbm>>) target_semaphore(%arg28 : memref<!tpu.dma_semaphore, #tpu.memory_space<semaphore_mem>>)
      %add3A_313 = arith.constant 0 : i32
      %add3A_314 = arith.addi %mul3A_2, %add3A_313 : i32
      %dma_wait3A_315 = arith.constant 0 : i32
      %dma_wait3A_316 = arith.constant 0 : i32
      %dma_wait3A_317 = tpu.memref_slice %arg10[%dma_wait3A_315, %add3A_314, %dma_wait3A_316] : memref<6x4096x1024xf32, #tpu.memory_space<hbm>> -> memref<1x16x1024xf32, #tpu.memory_space<hbm>>
      %dma_wait3A_318 = tpu.memref_squeeze %dma_wait3A_317 : memref<1x16x1024xf32, #tpu.memory_space<hbm>> -> memref<16x1024xf32, #tpu.memory_space<hbm>>
      %dma_wait3A_319 = arith.constant 0 : i32
      %dma_wait3A_320 = tpu.memref_slice %arg10[%dma_wait3A_315, %add3A_314, %dma_wait3A_319] : memref<6x4096x1024xf32, #tpu.memory_space<hbm>> -> memref<1x16x1024xf32, #tpu.memory_space<hbm>>
      %dma_wait3A_321 = tpu.memref_squeeze %dma_wait3A_320 : memref<1x16x1024xf32, #tpu.memory_space<hbm>> -> memref<16x1024xf32, #tpu.memory_space<hbm>>
      tpu.wait_dma2 semaphore(%arg31 : memref<!tpu.dma_semaphore, #tpu.memory_space<semaphore_mem>>) src(%arg19 : memref<16x1024xf32, #tpu.memory_space<vmem>>) dst(%dma_wait3A_321 : memref<16x1024xf32, #tpu.memory_space<hbm>>)
      %mul3A_322 = arith.constant 16 : i32
      %mul3A_323 = arith.muli %scan3A_52, %mul3A_322 : i32
      %dma_start3A_324 = tpu.memref_slice %arg13[%mul3A_323] : memref<128xi32, #tpu.memory_space<vmem>> -> memref<16xi32, #tpu.memory_space<vmem>>
      %dma_start3A_325 = arith.constant 0 : i32
      %dma_start3A_326 = arith.constant 0 : i32
      %dma_start3A_327 = tpu.memref_slice %arg7[%dma_start3A_325, %dma_start3A_326] : memref<64x1024xf32, #tpu.memory_space<hbm>> -> memref<64x1024xf32, #tpu.memory_space<hbm>>
      tpu.enqueue_indirect_dma source(%dma_start3A_327 : memref<64x1024xf32, #tpu.memory_space<hbm>>) target(%arg19 : memref<16x1024xf32, #tpu.memory_space<vmem>>) offsets(%dma_start3A_324 : memref<16xi32, #tpu.memory_space<vmem>>) semaphore(%arg25 : memref<!tpu.dma_semaphore, #tpu.memory_space<semaphore_mem>>)
      %mul3A_328 = arith.constant 16 : i32
      %mul3A_329 = arith.muli %scan3A_52, %mul3A_328 : i32
      %dma_wait3A_330 = tpu.memref_slice %arg13[%mul3A_329] : memref<128xi32, #tpu.memory_space<vmem>> -> memref<16xi32, #tpu.memory_space<vmem>>
      %dma_wait3A_331 = arith.constant 0 : i32
      %dma_wait3A_332 = arith.constant 0 : i32
      %dma_wait3A_333 = tpu.memref_slice %arg5[%dma_wait3A_331, %dma_wait3A_332] : memref<64x1024xf32, #tpu.memory_space<hbm>> -> memref<64x1024xf32, #tpu.memory_space<hbm>>
      tpu.wait_indirect_dma semaphore(%arg23 : memref<!tpu.dma_semaphore, #tpu.memory_space<semaphore_mem>>) src(%dma_wait3A_333 : memref<64x1024xf32, #tpu.memory_space<hbm>>) dst(%arg17 : memref<16x1024xf32, #tpu.memory_space<vmem>>)
      %mul3A_334 = arith.constant 16 : i32
      %mul3A_335 = arith.muli %scan3A_52, %mul3A_334 : i32
      %add3A_336 = arith.addi %mul3A_2, %mul3A_335 : i32
      %dma_start3A_337 = arith.constant 3 : i32
      %dma_start3A_338 = arith.constant 0 : i32
      %dma_start3A_339 = tpu.memref_slice %arg11[%dma_start3A_337, %add3A_336, %dma_start3A_338] : memref<6x4096x1024xf32, #tpu.memory_space<hbm>> -> memref<1x16x1024xf32, #tpu.memory_space<hbm>>
      %dma_start3A_340 = tpu.memref_squeeze %dma_start3A_339 : memref<1x16x1024xf32, #tpu.memory_space<hbm>> -> memref<16x1024xf32, #tpu.memory_space<hbm>>
      %dma_start3A_341 = arith.constant 0 : i32
      %dma_start3A_342 = tpu.memref_slice %arg11[%dma_start3A_337, %add3A_336, %dma_start3A_341] : memref<6x4096x1024xf32, #tpu.memory_space<hbm>> -> memref<1x16x1024xf32, #tpu.memory_space<hbm>>
      %dma_start3A_343 = tpu.memref_squeeze %dma_start3A_342 : memref<1x16x1024xf32, #tpu.memory_space<hbm>> -> memref<16x1024xf32, #tpu.memory_space<hbm>>
      tpu.enqueue_dma source(%arg17 : memref<16x1024xf32, #tpu.memory_space<vmem>>) target(%dma_start3A_343 : memref<16x1024xf32, #tpu.memory_space<hbm>>) target_semaphore(%arg29 : memref<!tpu.dma_semaphore, #tpu.memory_space<semaphore_mem>>)
      %add3A_344 = arith.constant 0 : i32
      %add3A_345 = arith.addi %mul3A_2, %add3A_344 : i32
      %dma_wait3A_346 = arith.constant 0 : i32
      %dma_wait3A_347 = arith.constant 0 : i32
      %dma_wait3A_348 = tpu.memref_slice %arg10[%dma_wait3A_346, %add3A_345, %dma_wait3A_347] : memref<6x4096x1024xf32, #tpu.memory_space<hbm>> -> memref<1x16x1024xf32, #tpu.memory_space<hbm>>
      %dma_wait3A_349 = tpu.memref_squeeze %dma_wait3A_348 : memref<1x16x1024xf32, #tpu.memory_space<hbm>> -> memref<16x1024xf32, #tpu.memory_space<hbm>>
      %dma_wait3A_350 = arith.constant 0 : i32
      %dma_wait3A_351 = tpu.memref_slice %arg10[%dma_wait3A_346, %add3A_345, %dma_wait3A_350] : memref<6x4096x1024xf32, #tpu.memory_space<hbm>> -> memref<1x16x1024xf32, #tpu.memory_space<hbm>>
      %dma_wait3A_352 = tpu.memref_squeeze %dma_wait3A_351 : memref<1x16x1024xf32, #tpu.memory_space<hbm>> -> memref<16x1024xf32, #tpu.memory_space<hbm>>
      tpu.wait_dma2 semaphore(%arg26 : memref<!tpu.dma_semaphore, #tpu.memory_space<semaphore_mem>>) src(%arg14 : memref<16x1024xf32, #tpu.memory_space<vmem>>) dst(%dma_wait3A_352 : memref<16x1024xf32, #tpu.memory_space<hbm>>)
      %add3A_353 = arith.constant 1 : i32
      %add3A_354 = arith.addi %scan3A_52, %add3A_353 : i32
      %lt3A = arith.constant 8 : i32
      %lt3A_355 = arith.cmpi slt, %add3A_354, %lt3A : i32
      %convert_element_type3A_356 = arith.extui %lt3A_355 : i1 to i32
      %cond3A_357 = arith.constant 0 : i32
      %cond3A_358 = arith.cmpi ne, %convert_element_type3A_356, %cond3A_357 : i32
      scf.if %cond3A_358 {
        %add3A_407 = arith.constant 1 : i32
        %add3A_408 = arith.addi %scan3A_52, %add3A_407 : i32
        %mul3A_409 = arith.constant 16 : i32
        %mul3A_410 = arith.muli %add3A_408, %mul3A_409 : i32
        %dma_start3A_411 = tpu.memref_slice %arg12[%mul3A_410] : memref<128xi32, #tpu.memory_space<vmem>> -> memref<16xi32, #tpu.memory_space<vmem>>
        %dma_start3A_412 = arith.constant 0 : i32
        %dma_start3A_413 = arith.constant 0 : i32
        %dma_start3A_414 = tpu.memref_slice %arg2[%dma_start3A_412, %dma_start3A_413] : memref<64x1024xf32, #tpu.memory_space<hbm>> -> memref<64x1024xf32, #tpu.memory_space<hbm>>
        tpu.enqueue_indirect_dma source(%dma_start3A_414 : memref<64x1024xf32, #tpu.memory_space<hbm>>) target(%arg14 : memref<16x1024xf32, #tpu.memory_space<vmem>>) offsets(%dma_start3A_411 : memref<16xi32, #tpu.memory_space<vmem>>) semaphore(%arg20 : memref<!tpu.dma_semaphore, #tpu.memory_space<semaphore_mem>>)
      } else {
      }
      %mul3A_359 = arith.constant 16 : i32
      %mul3A_360 = arith.muli %scan3A_52, %mul3A_359 : i32
      %dma_wait3A_361 = tpu.memref_slice %arg13[%mul3A_360] : memref<128xi32, #tpu.memory_space<vmem>> -> memref<16xi32, #tpu.memory_space<vmem>>
      %dma_wait3A_362 = arith.constant 0 : i32
      %dma_wait3A_363 = arith.constant 0 : i32
      %dma_wait3A_364 = tpu.memref_slice %arg6[%dma_wait3A_362, %dma_wait3A_363] : memref<64x1024xf32, #tpu.memory_space<hbm>> -> memref<64x1024xf32, #tpu.memory_space<hbm>>
      tpu.wait_indirect_dma semaphore(%arg24 : memref<!tpu.dma_semaphore, #tpu.memory_space<semaphore_mem>>) src(%dma_wait3A_364 : memref<64x1024xf32, #tpu.memory_space<hbm>>) dst(%arg18 : memref<16x1024xf32, #tpu.memory_space<vmem>>)
      %mul3A_365 = arith.constant 16 : i32
      %mul3A_366 = arith.muli %scan3A_52, %mul3A_365 : i32
      %add3A_367 = arith.addi %mul3A_2, %mul3A_366 : i32
      %dma_start3A_368 = arith.constant 4 : i32
      %dma_start3A_369 = arith.constant 0 : i32
      %dma_start3A_370 = tpu.memref_slice %arg11[%dma_start3A_368, %add3A_367, %dma_start3A_369] : memref<6x4096x1024xf32, #tpu.memory_space<hbm>> -> memref<1x16x1024xf32, #tpu.memory_space<hbm>>
      %dma_start3A_371 = tpu.memref_squeeze %dma_start3A_370 : memref<1x16x1024xf32, #tpu.memory_space<hbm>> -> memref<16x1024xf32, #tpu.memory_space<hbm>>
      %dma_start3A_372 = arith.constant 0 : i32
      %dma_start3A_373 = tpu.memref_slice %arg11[%dma_start3A_368, %add3A_367, %dma_start3A_372] : memref<6x4096x1024xf32, #tpu.memory_space<hbm>> -> memref<1x16x1024xf32, #tpu.memory_space<hbm>>
      %dma_start3A_374 = tpu.memref_squeeze %dma_start3A_373 : memref<1x16x1024xf32, #tpu.memory_space<hbm>> -> memref<16x1024xf32, #tpu.memory_space<hbm>>
      tpu.enqueue_dma source(%arg18 : memref<16x1024xf32, #tpu.memory_space<vmem>>) target(%dma_start3A_374 : memref<16x1024xf32, #tpu.memory_space<hbm>>) target_semaphore(%arg30 : memref<!tpu.dma_semaphore, #tpu.memory_space<semaphore_mem>>)
      %add3A_375 = arith.constant 0 : i32
      %add3A_376 = arith.addi %mul3A_2, %add3A_375 : i32
      %dma_wait3A_377 = arith.constant 0 : i32
      %dma_wait3A_378 = arith.constant 0 : i32
      %dma_wait3A_379 = tpu.memref_slice %arg10[%dma_wait3A_377, %add3A_376, %dma_wait3A_378] : memref<6x4096x1024xf32, #tpu.memory_space<hbm>> -> memref<1x16x1024xf32, #tpu.memory_space<hbm>>
      %dma_wait3A_380 = tpu.memref_squeeze %dma_wait3A_379 : memref<1x16x1024xf32, #tpu.memory_space<hbm>> -> memref<16x1024xf32, #tpu.memory_space<hbm>>
      %dma_wait3A_381 = arith.constant 0 : i32
      %dma_wait3A_382 = tpu.memref_slice %arg10[%dma_wait3A_377, %add3A_376, %dma_wait3A_381] : memref<6x4096x1024xf32, #tpu.memory_space<hbm>> -> memref<1x16x1024xf32, #tpu.memory_space<hbm>>
      %dma_wait3A_383 = tpu.memref_squeeze %dma_wait3A_382 : memref<1x16x1024xf32, #tpu.memory_space<hbm>> -> memref<16x1024xf32, #tpu.memory_space<hbm>>
      tpu.wait_dma2 semaphore(%arg27 : memref<!tpu.dma_semaphore, #tpu.memory_space<semaphore_mem>>) src(%arg15 : memref<16x1024xf32, #tpu.memory_space<vmem>>) dst(%dma_wait3A_383 : memref<16x1024xf32, #tpu.memory_space<hbm>>)
      %add3A_384 = arith.constant 1 : i32
      %add3A_385 = arith.addi %scan3A_52, %add3A_384 : i32
      %lt3A_386 = arith.constant 8 : i32
      %lt3A_387 = arith.cmpi slt, %add3A_385, %lt3A_386 : i32
      %convert_element_type3A_388 = arith.extui %lt3A_387 : i1 to i32
      %cond3A_389 = arith.constant 0 : i32
      %cond3A_390 = arith.cmpi ne, %convert_element_type3A_388, %cond3A_389 : i32
      scf.if %cond3A_390 {
        %add3A_407 = arith.constant 1 : i32
        %add3A_408 = arith.addi %scan3A_52, %add3A_407 : i32
        %mul3A_409 = arith.constant 16 : i32
        %mul3A_410 = arith.muli %add3A_408, %mul3A_409 : i32
        %dma_start3A_411 = tpu.memref_slice %arg12[%mul3A_410] : memref<128xi32, #tpu.memory_space<vmem>> -> memref<16xi32, #tpu.memory_space<vmem>>
        %dma_start3A_412 = arith.constant 0 : i32
        %dma_start3A_413 = arith.constant 0 : i32
        %dma_start3A_414 = tpu.memref_slice %arg3[%dma_start3A_412, %dma_start3A_413] : memref<64x1024xf32, #tpu.memory_space<hbm>> -> memref<64x1024xf32, #tpu.memory_space<hbm>>
        tpu.enqueue_indirect_dma source(%dma_start3A_414 : memref<64x1024xf32, #tpu.memory_space<hbm>>) target(%arg15 : memref<16x1024xf32, #tpu.memory_space<vmem>>) offsets(%dma_start3A_411 : memref<16xi32, #tpu.memory_space<vmem>>) semaphore(%arg21 : memref<!tpu.dma_semaphore, #tpu.memory_space<semaphore_mem>>)
      } else {
      }
      %mul3A_391 = arith.constant 16 : i32
      %mul3A_392 = arith.muli %scan3A_52, %mul3A_391 : i32
      %dma_wait3A_393 = tpu.memref_slice %arg13[%mul3A_392] : memref<128xi32, #tpu.memory_space<vmem>> -> memref<16xi32, #tpu.memory_space<vmem>>
      %dma_wait3A_394 = arith.constant 0 : i32
      %dma_wait3A_395 = arith.constant 0 : i32
      %dma_wait3A_396 = tpu.memref_slice %arg7[%dma_wait3A_394, %dma_wait3A_395] : memref<64x1024xf32, #tpu.memory_space<hbm>> -> memref<64x1024xf32, #tpu.memory_space<hbm>>
      tpu.wait_indirect_dma semaphore(%arg25 : memref<!tpu.dma_semaphore, #tpu.memory_space<semaphore_mem>>) src(%dma_wait3A_396 : memref<64x1024xf32, #tpu.memory_space<hbm>>) dst(%arg19 : memref<16x1024xf32, #tpu.memory_space<vmem>>)
      %mul3A_397 = arith.constant 16 : i32
      %mul3A_398 = arith.muli %scan3A_52, %mul3A_397 : i32
      %add3A_399 = arith.addi %mul3A_2, %mul3A_398 : i32
      %dma_start3A_400 = arith.constant 5 : i32
      %dma_start3A_401 = arith.constant 0 : i32
      %dma_start3A_402 = tpu.memref_slice %arg11[%dma_start3A_400, %add3A_399, %dma_start3A_401] : memref<6x4096x1024xf32, #tpu.memory_space<hbm>> -> memref<1x16x1024xf32, #tpu.memory_space<hbm>>
      %dma_start3A_403 = tpu.memref_squeeze %dma_start3A_402 : memref<1x16x1024xf32, #tpu.memory_space<hbm>> -> memref<16x1024xf32, #tpu.memory_space<hbm>>
      %dma_start3A_404 = arith.constant 0 : i32
      %dma_start3A_405 = tpu.memref_slice %arg11[%dma_start3A_400, %add3A_399, %dma_start3A_404] : memref<6x4096x1024xf32, #tpu.memory_space<hbm>> -> memref<1x16x1024xf32, #tpu.memory_space<hbm>>
      %dma_start3A_406 = tpu.memref_squeeze %dma_start3A_405 : memref<1x16x1024xf32, #tpu.memory_space<hbm>> -> memref<16x1024xf32, #tpu.memory_space<hbm>>
      tpu.enqueue_dma source(%arg19 : memref<16x1024xf32, #tpu.memory_space<vmem>>) target(%dma_start3A_406 : memref<16x1024xf32, #tpu.memory_space<hbm>>) target_semaphore(%arg31 : memref<!tpu.dma_semaphore, #tpu.memory_space<semaphore_mem>>)
    }
    %scan3A_16 = arith.constant 8 : i32
    %add3A_17 = arith.constant 0 : i32
    %add3A_18 = arith.addi %mul3A_2, %add3A_17 : i32
    %dma_wait3A = arith.constant 0 : i32
    %dma_wait3A_19 = arith.constant 0 : i32
    %dma_wait3A_20 = tpu.memref_slice %arg10[%dma_wait3A, %add3A_18, %dma_wait3A_19] : memref<6x4096x1024xf32, #tpu.memory_space<hbm>> -> memref<1x16x1024xf32, #tpu.memory_space<hbm>>
    %dma_wait3A_21 = tpu.memref_squeeze %dma_wait3A_20 : memref<1x16x1024xf32, #tpu.memory_space<hbm>> -> memref<16x1024xf32, #tpu.memory_space<hbm>>
    %dma_wait3A_22 = arith.constant 0 : i32
    %dma_wait3A_23 = tpu.memref_slice %arg10[%dma_wait3A, %add3A_18, %dma_wait3A_22] : memref<6x4096x1024xf32, #tpu.memory_space<hbm>> -> memref<1x16x1024xf32, #tpu.memory_space<hbm>>
    %dma_wait3A_24 = tpu.memref_squeeze %dma_wait3A_23 : memref<1x16x1024xf32, #tpu.memory_space<hbm>> -> memref<16x1024xf32, #tpu.memory_space<hbm>>
    tpu.wait_dma2 semaphore(%arg28 : memref<!tpu.dma_semaphore, #tpu.memory_space<semaphore_mem>>) src(%arg16 : memref<16x1024xf32, #tpu.memory_space<vmem>>) dst(%dma_wait3A_24 : memref<16x1024xf32, #tpu.memory_space<hbm>>)
    %add3A_25 = arith.constant 0 : i32
    %add3A_26 = arith.addi %mul3A_2, %add3A_25 : i32
    %dma_wait3A_27 = arith.constant 0 : i32
    %dma_wait3A_28 = arith.constant 0 : i32
    %dma_wait3A_29 = tpu.memref_slice %arg10[%dma_wait3A_27, %add3A_26, %dma_wait3A_28] : memref<6x4096x1024xf32, #tpu.memory_space<hbm>> -> memref<1x16x1024xf32, #tpu.memory_space<hbm>>
    %dma_wait3A_30 = tpu.memref_squeeze %dma_wait3A_29 : memref<1x16x1024xf32, #tpu.memory_space<hbm>> -> memref<16x1024xf32, #tpu.memory_space<hbm>>
    %dma_wait3A_31 = arith.constant 0 : i32
    %dma_wait3A_32 = tpu.memref_slice %arg10[%dma_wait3A_27, %add3A_26, %dma_wait3A_31] : memref<6x4096x1024xf32, #tpu.memory_space<hbm>> -> memref<1x16x1024xf32, #tpu.memory_space<hbm>>
    %dma_wait3A_33 = tpu.memref_squeeze %dma_wait3A_32 : memref<1x16x1024xf32, #tpu.memory_space<hbm>> -> memref<16x1024xf32, #tpu.memory_space<hbm>>
    tpu.wait_dma2 semaphore(%arg29 : memref<!tpu.dma_semaphore, #tpu.memory_space<semaphore_mem>>) src(%arg17 : memref<16x1024xf32, #tpu.memory_space<vmem>>) dst(%dma_wait3A_33 : memref<16x1024xf32, #tpu.memory_space<hbm>>)
    %add3A_34 = arith.constant 0 : i32
    %add3A_35 = arith.addi %mul3A_2, %add3A_34 : i32
    %dma_wait3A_36 = arith.constant 0 : i32
    %dma_wait3A_37 = arith.constant 0 : i32
    %dma_wait3A_38 = tpu.memref_slice %arg10[%dma_wait3A_36, %add3A_35, %dma_wait3A_37] : memref<6x4096x1024xf32, #tpu.memory_space<hbm>> -> memref<1x16x1024xf32, #tpu.memory_space<hbm>>
    %dma_wait3A_39 = tpu.memref_squeeze %dma_wait3A_38 : memref<1x16x1024xf32, #tpu.memory_space<hbm>> -> memref<16x1024xf32, #tpu.memory_space<hbm>>
    %dma_wait3A_40 = arith.constant 0 : i32
    %dma_wait3A_41 = tpu.memref_slice %arg10[%dma_wait3A_36, %add3A_35, %dma_wait3A_40] : memref<6x4096x1024xf32, #tpu.memory_space<hbm>> -> memref<1x16x1024xf32, #tpu.memory_space<hbm>>
    %dma_wait3A_42 = tpu.memref_squeeze %dma_wait3A_41 : memref<1x16x1024xf32, #tpu.memory_space<hbm>> -> memref<16x1024xf32, #tpu.memory_space<hbm>>
    tpu.wait_dma2 semaphore(%arg30 : memref<!tpu.dma_semaphore, #tpu.memory_space<semaphore_mem>>) src(%arg18 : memref<16x1024xf32, #tpu.memory_space<vmem>>) dst(%dma_wait3A_42 : memref<16x1024xf32, #tpu.memory_space<hbm>>)
    %add3A_43 = arith.constant 0 : i32
    %add3A_44 = arith.addi %mul3A_2, %add3A_43 : i32
    %dma_wait3A_45 = arith.constant 0 : i32
    %dma_wait3A_46 = arith.constant 0 : i32
    %dma_wait3A_47 = tpu.memref_slice %arg10[%dma_wait3A_45, %add3A_44, %dma_wait3A_46] : memref<6x4096x1024xf32, #tpu.memory_space<hbm>> -> memref<1x16x1024xf32, #tpu.memory_space<hbm>>
    %dma_wait3A_48 = tpu.memref_squeeze %dma_wait3A_47 : memref<1x16x1024xf32, #tpu.memory_space<hbm>> -> memref<16x1024xf32, #tpu.memory_space<hbm>>
    %dma_wait3A_49 = arith.constant 0 : i32
    %dma_wait3A_50 = tpu.memref_slice %arg10[%dma_wait3A_45, %add3A_44, %dma_wait3A_49] : memref<6x4096x1024xf32, #tpu.memory_space<hbm>> -> memref<1x16x1024xf32, #tpu.memory_space<hbm>>
    %dma_wait3A_51 = tpu.memref_squeeze %dma_wait3A_50 : memref<1x16x1024xf32, #tpu.memory_space<hbm>> -> memref<16x1024xf32, #tpu.memory_space<hbm>>
    tpu.wait_dma2 semaphore(%arg31 : memref<!tpu.dma_semaphore, #tpu.memory_space<semaphore_mem>>) src(%arg19 : memref<16x1024xf32, #tpu.memory_space<vmem>>) dst(%dma_wait3A_51 : memref<16x1024xf32, #tpu.memory_space<hbm>>)
    return
  }
}

module attributes {stable_mosaic.version = 14 : i64} {
  func.func @_route_body(%arg0: i32, %arg1: memref<512x1024xf32, #tpu.memory_space<vmem>>, %arg2: memref<64x1024xf32, #tpu.memory_space<vmem>>, %arg3: memref<1024x1024xf32, #tpu.memory_space<vmem>>, %arg4: memref<1x1024xf32, #tpu.memory_space<vmem>>, %arg5: memref<512x1024xf32, #tpu.memory_space<vmem>>, %arg6: memref<1x1xf32, #tpu.memory_space<smem>>, %arg7: memref<512x2xi32, #tpu.memory_space<vmem>>, %arg8: memref<512x1024xf32, #tpu.memory_space<vmem>>) attributes {dimension_semantics = [#tpu.dimension_semantics<arbitrary>], iteration_bounds = array<i64: 8>, scalar_prefetch = 0 : i64, scratch_operands = 0 : i64, tpu.core_type = #tpu.core_type<tc>, window_params = [{transform_indices = @transform_0, window_bounds = array<i64: 512, 1024>}, {pipeline_mode = #tpu.pipeline_mode<synchronous>, transform_indices = @transform_1, window_bounds = array<i64: 64, 1024>}, {pipeline_mode = #tpu.pipeline_mode<synchronous>, transform_indices = @transform_2, window_bounds = array<i64: 1024, 1024>}, {pipeline_mode = #tpu.pipeline_mode<synchronous>, transform_indices = @transform_3, window_bounds = array<i64: 1, 1024>}, {transform_indices = @transform_4, window_bounds = array<i64: 512, 1024>}, {transform_indices = @transform_5, window_bounds = array<i64: 1, 1>}, {transform_indices = @transform_6, window_bounds = array<i64: 512, 2>}, {transform_indices = @transform_7, window_bounds = array<i64: 512, 1024>}]} {
    %get3A = arith.constant 0 : index
    %get3A_0 = arith.constant 0 : index
    %get3A_1 = vector.load %arg1[%get3A, %get3A_0] : memref<512x1024xf32, #tpu.memory_space<vmem>>, vector<512x1024xf32>
    %get3A_2 = arith.constant 0 : index
    %get3A_3 = arith.constant 0 : index
    %get3A_4 = vector.load %arg3[%get3A_2, %get3A_3] : memref<1024x1024xf32, #tpu.memory_space<vmem>>, vector<1024x1024xf32>
    %dot_general3A = arith.constant dense<0.000000e+00> : vector<512x1024xf32>
    %dot_general3A_5 = tpu.matmul %get3A_1, %get3A_4, %dot_general3A {dimension_numbers = #tpu.dot_dimension_numbers<[1], [1], [0], [0], [0, 0, 1, 0], [], []>, transpose_lhs_hint = false} : vector<512x1024xf32>, vector<1024x1024xf32>, vector<512x1024xf32> -> vector<512x1024xf32>
    %get3A_6 = arith.constant 0 : index
    %get3A_7 = arith.constant 0 : index
    %get3A_8 = vector.load %arg4[%get3A_6, %get3A_7] : memref<1x1024xf32, #tpu.memory_space<vmem>>, vector<1x1024xf32>
    %add3A = vector.broadcast %get3A_8 : vector<1x1024xf32> to vector<512x1024xf32>
    %add3A_9 = arith.addf %dot_general3A_5, %add3A : vector<512x1024xf32>
    %max3A = arith.constant 0.000000e+00 : f32
    %max3A_10 = vector.broadcast %max3A : f32 to vector<512x1024xf32>
    %max3A_11 = arith.maximumf %add3A_9, %max3A_10 : vector<512x1024xf32>
    %mul3A = arith.mulf %max3A_11, %max3A_11 : vector<512x1024xf32>
    %reduce_sum3A = arith.constant dense<0.000000e+00> : vector<512xf32>
    %reduce_sum3A_12 = vector.multi_reduction <add>, %mul3A, %reduce_sum3A [1] : vector<512x1024xf32> to vector<512xf32>
    %broadcast_in_dim3A = vector.shape_cast %reduce_sum3A_12 : vector<512xf32> to vector<512x1xf32>
    %sqrt3A = math.sqrt %broadcast_in_dim3A : vector<512x1xf32>
    %max3A_13 = arith.constant 9.99999996E-13 : f32
    %max3A_14 = vector.broadcast %max3A_13 : f32 to vector<512x1xf32>
    %max3A_15 = arith.maximumf %sqrt3A, %max3A_14 : vector<512x1xf32>
    %div3A = vector.broadcast %max3A_15 : vector<512x1xf32> to vector<512x1024xf32>
    %div3A_16 = arith.divf %max3A_11, %div3A : vector<512x1024xf32>
    %get3A_17 = arith.constant 0 : index
    %get3A_18 = arith.constant 0 : index
    %get3A_19 = vector.load %arg2[%get3A_17, %get3A_18] : memref<64x1024xf32, #tpu.memory_space<vmem>>, vector<64x1024xf32>
    %mul3A_20 = arith.mulf %get3A_19, %get3A_19 : vector<64x1024xf32>
    %reduce_sum3A_21 = arith.constant dense<0.000000e+00> : vector<64xf32>
    %reduce_sum3A_22 = vector.multi_reduction <add>, %mul3A_20, %reduce_sum3A_21 [1] : vector<64x1024xf32> to vector<64xf32>
    %broadcast_in_dim3A_23 = vector.shape_cast %reduce_sum3A_22 : vector<64xf32> to vector<64x1xf32>
    %sqrt3A_24 = math.sqrt %broadcast_in_dim3A_23 : vector<64x1xf32>
    %max3A_25 = arith.constant 9.99999996E-13 : f32
    %max3A_26 = vector.broadcast %max3A_25 : f32 to vector<64x1xf32>
    %max3A_27 = arith.maximumf %sqrt3A_24, %max3A_26 : vector<64x1xf32>
    %div3A_28 = vector.broadcast %max3A_27 : vector<64x1xf32> to vector<64x1024xf32>
    %div3A_29 = arith.divf %get3A_19, %div3A_28 : vector<64x1024xf32>
    %dot_general3A_30 = arith.constant dense<0.000000e+00> : vector<512x64xf32>
    %dot_general3A_31 = tpu.matmul %div3A_16, %div3A_29, %dot_general3A_30 {dimension_numbers = #tpu.dot_dimension_numbers<[1], [1], [0], [0], [0, 0, 1, 0], [], []>, transpose_lhs_hint = false} : vector<512x1024xf32>, vector<64x1024xf32>, vector<512x64xf32> -> vector<512x64xf32>
    %iota3A = tpu.iota {dimensions = array<i32: 1>} : vector<512x64xi32>
    %reduce_max3A = arith.constant dense<0xFF800000> : vector<512xf32>
    %reduce_max3A_32 = vector.multi_reduction <maximumf>, %dot_general3A_31, %reduce_max3A [1] : vector<512x64xf32> to vector<512xf32>
    %broadcast_in_dim3A_33 = vector.shape_cast %reduce_max3A_32 : vector<512xf32> to vector<512x1xf32>
    %eq3A = vector.broadcast %broadcast_in_dim3A_33 : vector<512x1xf32> to vector<512x64xf32>
    %eq3A_34 = arith.cmpf oeq, %dot_general3A_31, %eq3A : vector<512x64xf32>
    %jit3A = arith.constant 64 : i32
    %broadcast_in_dim3A_35 = vector.broadcast %jit3A : i32 to vector<512x64xi32>
    %select_n3A = arith.select %eq3A_34, %iota3A, %broadcast_in_dim3A_35 : vector<512x64xi1>, vector<512x64xi32>
    %reduce_min3A = arith.constant dense<2147483647> : vector<512xi32>
    %reduce_min3A_36 = vector.multi_reduction <minsi>, %select_n3A, %reduce_min3A [1] : vector<512x64xi32> to vector<512xi32>
    %broadcast_in_dim3A_37 = vector.shape_cast %reduce_min3A_36 : vector<512xi32> to vector<512x1xi32>
    %eq3A_38 = vector.broadcast %broadcast_in_dim3A_37 : vector<512x1xi32> to vector<512x64xi32>
    %eq3A_39 = arith.cmpi eq, %iota3A, %eq3A_38 : vector<512x64xi32>
    %jit3A_40 = arith.constant 0xFF800000 : f32
    %broadcast_in_dim3A_41 = vector.broadcast %jit3A_40 : f32 to vector<512x64xf32>
    %select_n3A_42 = arith.select %eq3A_39, %broadcast_in_dim3A_41, %dot_general3A_31 : vector<512x64xi1>, vector<512x64xf32>
    %reduce_max3A_43 = arith.constant dense<0xFF800000> : vector<512xf32>
    %reduce_max3A_44 = vector.multi_reduction <maximumf>, %select_n3A_42, %reduce_max3A_43 [1] : vector<512x64xf32> to vector<512xf32>
    %broadcast_in_dim3A_45 = vector.shape_cast %reduce_max3A_44 : vector<512xf32> to vector<512x1xf32>
    %eq3A_46 = vector.broadcast %broadcast_in_dim3A_45 : vector<512x1xf32> to vector<512x64xf32>
    %eq3A_47 = arith.cmpf oeq, %select_n3A_42, %eq3A_46 : vector<512x64xf32>
    %jit3A_48 = arith.constant 64 : i32
    %broadcast_in_dim3A_49 = vector.broadcast %jit3A_48 : i32 to vector<512x64xi32>
    %select_n3A_50 = arith.select %eq3A_47, %iota3A, %broadcast_in_dim3A_49 : vector<512x64xi1>, vector<512x64xi32>
    %reduce_min3A_51 = arith.constant dense<2147483647> : vector<512xi32>
    %reduce_min3A_52 = vector.multi_reduction <minsi>, %select_n3A_50, %reduce_min3A_51 [1] : vector<512x64xi32> to vector<512xi32>
    %broadcast_in_dim3A_53 = vector.shape_cast %reduce_min3A_52 : vector<512xi32> to vector<512x1xi32>
    %concatenate3A = tpu.concatenate %broadcast_in_dim3A_37, %broadcast_in_dim3A_53 in 1 : vector<512x1xi32>, vector<512x1xi32> -> vector<512x2xi32>
    %swap3A = arith.constant 0 : index
    %swap3A_54 = arith.constant 0 : index
    %swap3A_55 = vector.load %arg7[%swap3A, %swap3A_54] : memref<512x2xi32, #tpu.memory_space<vmem>>, vector<512x2xi32>
    tpu.vector_store %arg7[%swap3A, %swap3A_54], %concatenate3A {strides = array<i32>} : memref<512x2xi32, #tpu.memory_space<vmem>>, vector<512x2xi32>,
    %get3A_56 = arith.constant 0 : index
    %get3A_57 = arith.constant 0 : index
    %get3A_58 = vector.load %arg5[%get3A_56, %get3A_57] : memref<512x1024xf32, #tpu.memory_space<vmem>>, vector<512x1024xf32>
    %get3A_59 = arith.constant 0 : index
    %get3A_60 = arith.constant 0 : index
    %get3A_61 = memref.load %arg6[%get3A_59, %get3A_60] : memref<1x1xf32, #tpu.memory_space<smem>>
    %mul3A_62 = vector.broadcast %get3A_61 : f32 to vector<512x1024xf32>
    %mul3A_63 = arith.mulf %get3A_58, %mul3A_62 : vector<512x1024xf32>
    %swap3A_64 = arith.constant 0 : index
    %swap3A_65 = arith.constant 0 : index
    %swap3A_66 = vector.load %arg8[%swap3A_64, %swap3A_65] : memref<512x1024xf32, #tpu.memory_space<vmem>>, vector<512x1024xf32>
    tpu.vector_store %arg8[%swap3A_64, %swap3A_65], %mul3A_63 {strides = array<i32>} : memref<512x1024xf32, #tpu.memory_space<vmem>>, vector<512x1024xf32>,
    return
  }
  func.func @transform_0(%arg0: i32) -> (i32, i32) {
    %c0_i32 = arith.constant 0 : i32
    %c0_i32_0 = arith.constant 0 : i32
    return %arg0, %c0_i32 : i32, i32
  }
  func.func @transform_1(%arg0: i32) -> (i32, i32) {
    %c0_i32 = arith.constant 0 : i32
    %c0_i32_0 = arith.constant 0 : i32
    %c0_i32_1 = arith.constant 0 : i32
    return %c0_i32, %c0_i32_0 : i32, i32
  }
  func.func @transform_2(%arg0: i32) -> (i32, i32) {
    %c0_i32 = arith.constant 0 : i32
    %c0_i32_0 = arith.constant 0 : i32
    %c0_i32_1 = arith.constant 0 : i32
    return %c0_i32, %c0_i32_0 : i32, i32
  }
  func.func @transform_3(%arg0: i32) -> (i32, i32) {
    %c0_i32 = arith.constant 0 : i32
    %c0_i32_0 = arith.constant 0 : i32
    %c0_i32_1 = arith.constant 0 : i32
    return %c0_i32, %c0_i32_0 : i32, i32
  }
  func.func @transform_4(%arg0: i32) -> (i32, i32) {
    %c0_i32 = arith.constant 0 : i32
    %c0_i32_0 = arith.constant 0 : i32
    return %arg0, %c0_i32 : i32, i32
  }
  func.func @transform_5(%arg0: i32) -> (i32, i32) {
    %c0_i32 = arith.constant 0 : i32
    %c0_i32_0 = arith.constant 0 : i32
    %c0_i32_1 = arith.constant 0 : i32
    return %c0_i32, %c0_i32_0 : i32, i32
  }
  func.func @transform_6(%arg0: i32) -> (i32, i32) {
    %c0_i32 = arith.constant 0 : i32
    %c0_i32_0 = arith.constant 0 : i32
    return %arg0, %c0_i32 : i32, i32
  }
  func.func @transform_7(%arg0: i32) -> (i32, i32) {
    %c0_i32 = arith.constant 0 : i32
    %c0_i32_0 = arith.constant 0 : i32
    return %arg0, %c0_i32 : i32, i32
  }
}

</mosaic_0001>

<sc_bundles>
// kernel: kernel.4.cloned.1.call-start
scs
__scs_entry_jumppad:
0x0: {  	(pc) =	sbr.rel $0x88, $3  }
0x1: {  	(tag) =	ssettag $0x0;
	lr =	simm.s32 $0x1  }
0x2: {  	[smem:$0x3F9A] =	sst lr;
	_ =	strace $0xD0000000  }
0x3: {  	_ = 	snop  }
0x4: {  	_ = 	snop  }
0x5: {  	_ = 	snop  }
0x6: {  	_ = 	snop  }
0x7: {  	_ = 	snop  }
__scs_overlays_trampoline_lowered:
0x8: {  	[smem:$0x3FA9] =	sst s0  }
0x9: {  	[smem:$0x3FAA] =	sst s1  }
0xa: {  	[smem:$0x3FAB] =	sst s2  }
0xb: {  	[smem:$0x3FAC] =	sst s3  }
0xc: {  	[smem:$0x3FAD] =	sst s4  }
0xd: {  	[smem:$0x3FAE] =	sst s5  }
0xe: {  	[smem:$0x3FAF] =	sst s6  }
0xf: {  	[smem:$0x3FB0] =	sst s7  }
0x10: {  	[smem:$0x3FB1] =	sst s8  }
0x11: {  	[smem:$0x3FB2] =	sst s9;
	s0 =	simm.s32 @!p0 $0x0  }
0x12: {  	s1 =	sld [smem:$0x3F98];
	s0 =	simm.s32 @p0 $0x1  }
0x13: {  	[smem:$0x3FB3] =	sst s0;
	s0 =	simm.s32 @!p1 $0x0  }
0x14: {  	s2 =	sld [smem:$0x3F97];
	s0 =	simm.s32 @p1 $0x1  }
0x15: {  	[smem:$0x3FB4] =	sst s0;
	s0 =	simm.s32 @!p2 $0x0  }
0x16: {  	s3 =	sld [smem:$0x3FDB];
	s0 =	simm.s32 @p2 $0x1  }
0x17: {  	s4 =	simm.s32 $0x1BF5;
	[smem:$0x3FB6] =	sst s0  }
0x18: {  	s0 =	sld [smem:$0x3F99];
	_ =	swait.ge [sflag:s4], $0x0  }
0x19: {  	s7 =	sld [smem:$0x3F9A]  }
0x1a: {  	s8 =	sadd.s32 $0xFFFFE003, lr  }
0x1b: {  	s9 =	sadd.s32 $0xFFFFFEF7, lr;
	s5 =	simm.s32 $0xFFFFFFFF;
	p2 =	slt.u32 s8, $0xFFFFF086  }
0x1c: {  	p1 =	slt.u32 s9, $0xF7A;
	s5 =	simm.s32 @!p2 $0x0  }
0x1d: {  	s5 =	simm.s32 @p1 $0x1;
	p0 =	seq.s32 s7, s2  }
0x1e: {  	s7 =	smul.u32 @!p0 $0xF7A, s2;
	p2 =	seq.s32 @!p0 s5, $0x0  }
0x1f: {  	s9 =	smul.u32 $0xF7A, s1;
	s8 =	simm.s32 @!p0 $0x1BF5;
	p2 =	por !p2, p0  }
0x20: {  	[sflag:s8] =	ssyncset.s32 @!p0 $0xFFFFF086;
	s6 =	sadd.s32 @!p0 s3, s7;
	s7 =	simm.s32 @!p0 $0x108  }
0x21: {  	s3 =	sadd.s32 s3, s9;
	s6 =	sadd.s32 @!p0 $0x88, s6;
	s7 =	simm.s32 @p2 $0x1082  }
0x22: {  	[simem:s7], [sflag:s8] =	dma.local @!p0 [hbm:s6], $0xF7A  }
0x23: {  	s9 =	sor.u32 $0xD0000000, s2;
	s6 =	simm.s32 $0x108;
	_ =	swait.ge @!p0 [sflag:s8], $0x0  }
0x24: {  	s3 =	sadd.s32 $0x88, s3;
	s6 =	simm.s32 @!p1 $0x1082;
	[sflag:s4] =	ssyncset.s32 $0xFFFFF086  }
0x25: {  	[simem:s6], [sflag:s4] =	dma.local [hbm:s3], $0xF7A  }
0x26: {  	[smem:$0x3F9A] =	sst s1;
	(tag) =	ssettag s2;
	_ =	strace s9  }
0x27: {  	s1 =	sld [smem:$0x3FAA]  }
0x28: {  	s2 =	sld [smem:$0x3FAB]  }
0x29: {  	s4 =	sld [smem:$0x3FAD]  }
0x2a: {  	p0 =	seq.s32 s5, $0x0;
	s5 =	sld [smem:$0x3FAE]  }
0x2b: {  	s6 =	sld [smem:$0x3FAF]  }
0x2c: {  	s7 =	sld [smem:$0x3FB0]  }
0x2d: {  	s3 =	simm.s32 $0x108;
	s8 =	sld [smem:$0x3FB1]  }
0x2e: {  	s3 =	simm.s32 @!p0 $0x1082;
	s9 =	sld [smem:$0x3FB2]  }
0x2f: {  	lr =	sadd.s32 s0, s3;
	s0 =	sld [smem:$0x3FA9]  }
0x30: {  	s3 =	sld [smem:$0x3FAC]  }
0x31: {  	[smem:$0x3FB5] =	sst s10  }
0x32: {  	s10 =	sld [smem:$0x3FB3];
	_ =	sdelay $0x3  }
0x33: {  	p0 =	seq.s32 s10, $0x1;
	s10 =	sld [smem:$0x3FB5];
	_ =	sdelay $0x3  }
0x34: {  	[smem:$0x3FB5] =	sst s10  }
0x35: {  	s10 =	sld [smem:$0x3FB4];
	_ =	sdelay $0x3  }
0x36: {  	p1 =	seq.s32 s10, $0x1;
	s10 =	sld [smem:$0x3FB5];
	_ =	sdelay $0x3  }
0x37: {  	[smem:$0x3FB5] =	sst s10  }
0x38: {  	s10 =	sld [smem:$0x3FB6]  }
0x39: {  	_ = 	snop;
	(pc) =	sbr.ind lr, $3  }
0x3a: {  	_ = 	snop  }
0x3b: {  	_ = 	snop  }
0x3c: {  	p2 =	seq.s32 s10, $0x1;
	s10 =	sld [smem:$0x3FB5]  }
0x3d: {  	_ =	shalt  }
0x3e: {  	_ =	shalt  }
0x3f: {  	_ =	shalt  }
0x40: {  	_ =	shalt  }
0x41: {  	_ =	shalt  }
0x42: {  	_ =	shalt  }
0x43: {  	_ =	shalt  }
0x44: {  	_ =	shalt  }
0x45: {  	_ =	shalt  }
0x46: {  	_ =	shalt  }
0x47: {  	_ =	shalt  }
0x48: {  	_ =	shalt  }
0x49: {  	_ =	shalt  }
0x4a: {  	_ =	shalt  }
0x4b: {  	_ =	shalt  }
0x4c: {  	_ =	shalt  }
0x4d: {  	_ =	shalt  }
0x4e: {  	_ =	shalt  }
0x4f: {  	_ =	shalt  }
0x50: {  	_ =	shalt  }
0x51: {  	_ =	shalt  }
0x52: {  	_ =	shalt  }
0x53: {  	_ =	shalt  }
0x54: {  	_ =	shalt  }
0x55: {  	_ =	shalt  }
0x56: {  	_ =	shalt  }
0x57: {  	_ =	shalt  }
0x58: {  	_ =	shalt  }
0x59: {  	_ =	shalt  }
0x5a: {  	_ =	shalt  }
0x5b: {  	_ =	shalt  }
0x5c: {  	_ =	shalt  }
0x5d: {  	_ =	shalt  }
0x5e: {  	_ =	shalt  }
0x5f: {  	_ =	shalt  }
0x60: {  	_ =	shalt  }
0x61: {  	_ =	shalt  }
0x62: {  	_ =	shalt  }
0x63: {  	_ =	shalt  }
0x64: {  	_ =	shalt  }
0x65: {  	_ =	shalt  }
0x66: {  	_ =	shalt  }
0x67: {  	_ =	shalt  }
0x68: {  	_ =	shalt  }
0x69: {  	_ =	shalt  }
0x6a: {  	_ =	shalt  }
0x6b: {  	_ =	shalt  }
0x6c: {  	_ =	shalt  }
0x6d: {  	_ =	shalt  }
0x6e: {  	_ =	shalt  }
0x6f: {  	_ =	shalt  }
0x70: {  	_ =	shalt  }
0x71: {  	_ =	shalt  }
0x72: {  	_ =	shalt  }
0x73: {  	_ =	shalt  }
0x74: {  	_ =	shalt  }
0x75: {  	_ =	shalt  }
0x76: {  	_ =	shalt  }
0x77: {  	_ =	shalt  }
0x78: {  	_ =	shalt  }
0x79: {  	_ =	shalt  }
0x7a: {  	_ =	shalt  }
0x7b: {  	_ =	shalt  }
0x7c: {  	_ =	shalt  }
0x7d: {  	_ =	shalt  }
0x7e: {  	_ =	shalt  }
0x7f: {  	_ =	shalt  }
0x80: {  	_ =	shalt  }
0x81: {  	_ =	shalt  }
0x82: {  	_ =	shalt  }
0x83: {  	_ =	shalt  }
0x84: {  	_ =	shalt  }
0x85: {  	_ =	shalt  }
0x86: {  	_ =	shalt  }
0x87: {  	_ =	shalt  }
.Lfunc_end0:
.L_simem_size_0:
called_computation_lowered:
.L_overlay_start_0:
0x88: {  	s2 =	sld [smem:$0x3FD9]  }
0x89: {  	s3 =	sld [smem:$0x3FFE];
	_ =	sdelay $0x1  }
0x8a: {  	s1 =	srdreg.scid  }
0x8b: {  	s0 =	sand.u32 $0x1, s1  }
0x8c: {  	s14 =	sshll.u32 s0, $0xA;
	s2 =	sadd.s32 s3, s2  }
0x8d: {  	s2 =	sadd.s32 s2, s14  }
0x8e: {  	[smem:$0x3FC1] =	sst s2  }
0x8f: {  	_ = 	snop  }
0x90: {  	s2 =	sld [smem:$0x3FD0];
	_ =	sdelay $0x2  }
0x91: {  	s15 =	simm.s32 $0xA;
	s4 =	simm.s32 $0x10  }
0x92: {  	[smem:s4], [sflag:s15] =	dma.local [hbm:s2], $0x1  }
0x93: {  	_ =	swait.eq [sflag:s15], $0x1  }
0x94: {  	[sflag:s15] =	ssyncset.done $0x0  }
0x95: {  	s16 =	sld [smem:$0x10];
	[sflag:s15] =	ssyncadd.s32 $0xFFFFFFFF  }
0x96: {  	s17 =	sld [smem:$0x11];
	(tm) =	ssettm $0x1  }
0x97: {  	s18 =	sld [smem:$0x3FFB];
	_ =	sdelay $0x3  }
0x98: {  	_ =	strace s18  }
0x99: {  	s4 =	sld [smem:$0x3FFC];
	_ =	sdelay $0x3  }
0x9a: {  	_ =	strace s4  }
0x9b: {  	s4 =	sld [smem:$0x3FFD];
	_ =	sdelay $0x3  }
0x9c: {  	_ =	strace s4  }
0x9d: {  	_ =	strace $0x8FFFFFFF  }
0x9e: {  	s19 =	sld [smem:$0x3FDB];
	_ =	sdelay $0x1  }
0x9f: {  	s5 =	simm.s32 $_scs_section_size  }
0xa0: {  	s6 =	simm.s32 $_size__tile_overlayer_lowered;
	s7 =	simm.s32 $_tile_overlayer_lowered  }
0xa1: {  	s22 =	simm.s32 $0x1BFF;
	s21 =	sshll.u32 s7, $0x1;
	s4 =	sadd.s32 s5, s19  }
0xa2: {  	s8 =	simm.s32 $0x0;
	s20 =	sshll.u32 s6, $0x1;
	s6 =	sadd.s32 s21, s4  }
0xa3: {  	[timem:s8], [sflag:s22] =	dma.local [hbm:s6], s20  }
0xa4: {  	_ =	swait.ge [sflag:s22], s20  }
0xa5: {  	s5 =	ssub.s32 $0x0, s20;
	[sflag:s22] =	ssyncset.done $0x0  }
0xa6: {  	[sflag:s22] =	ssyncadd.s32 s5;
	_ =	sdelay $0x1  }
0xa7: {  	s23 =	simm.s32 $0x1B8B  }
0xa8: {  	_ =	swait.ge [sflag:s23], $0x1  }
0xa9: {  	[sflag:s23] =	ssyncset.done $0x0  }
0xaa: {  	s25 =	simm.s32 $0x1B8E;
	s24 =	sld [smem:$0x3FFE];
	[sflag:s23] =	ssyncadd.s32 $0xFFFFFFFF  }
0xab: {  	s26 =	simm.s32 $execute0_lowered;
	[smem:$0x3FD2] =	sst s25  }
0xac: {  	s6 =	sshll.u32 s26, $0x1;
	_ =	strace $0x80000046;
	[dreg:$0x1] =	wrdreg $0xFFFFFFFF  }
0xad: {  	s28 =	simm.s32 $_size_execute0_lowered;
	s4 =	sadd.s32 s4, s6;
	[dreg:$0x0] =	wrdreg $0x0  }
0xae: {  	s6 =	sshll.u32 s28, $0x1;
	[dreg:$0x2] =	wrdreg s4  }
0xaf: {  	[dreg:$0x3] =	wrdreg s6  }
0xb0: {  	[dreg:$0x4] =	wrdreg $0xC0  }
0xb1: {  	_ =	task [dreg:s8], $0x5FFFF  }
0xb2: {  	[dreg:$0x1] =	wrdreg $0xFFFFFFFF  }
0xb3: {  	[dreg:$0x0] =	wrdreg $0x60  }
0xb4: {  	[dreg:$0x2] =	wrdreg s24  }
0xb5: {  	[dreg:$0x3] =	wrdreg s16  }
0xb6: {  	[dreg:$0x4] =	wrdreg s17  }
0xb7: {  	[dreg:$0x5] =	wrdreg $0x9  }
0xb8: {  	_ =	task.clear_ibuf [dreg:s8], $0x6FFFF;
	_ =	strace $0x90000046  }
0xb9: {  	s29 =	simm.s32 $0x9;
	_ =	strace $0x80000048  }
0xba: {  	_ =	swait.ge [sflag:s29], $0x1  }
0xbb: {  	[sflag:s29] =	ssyncadd.s32 $0xFFFFFFFF  }
0xbc: {  	_ =	strace $0x90000048  }
0xbd: {  	_ =	sfence  }
0xbe: {  	s30 =	sld [smem:$0x0];
	_ =	sdelay $0x2  }
0xbf: {  	s31 =	sshll.u32 s1, $0xD;
	s1 =	sshrl.u32 s1, $0x2  }
0xc0: {  	s3 =	sand.u32 $0x4000, s31;
	s1 =	sadd.s32 s1, s30  }
0xc1: {  	s0 =	sor.u32 s3, s0;
	s1 =	sshll.u32 s1, $0x11  }
0xc2: {  	s0 =	sor.u32 s1, s0  }
0xc3: {  	s0 =	sadd.s32 $0x8F2B, s0  }
0xc4: {  	[sflag:s0] =	ssyncadd.remote.s32 $0x1  }
0xc5: {  	_ =	sfence.sel $0xFFFF  }
0xc6: {  	[dreg:$0x0] =	wrdreg $0xFFFFFFFF;
	(pc) =	sbr.abs _section_cstart, $3  }
0xc7: {  	[dreg:$0x1] =	wrdreg $0xFFFFFFFF  }
0xc8: {  	_ =	task.clear_ibuf [dreg:s8], $0x2FFFF;
	_ =	strace $0x9FFFFFFF  }
0xc9: {  	(tm) =	ssettm $0x7FFFFFFF  }
tec
execute0_lowered:
.L_overlay_start_1:
0x0: {  	(tag) =	ssettag $0x1  }
0x1: {  	s0 =	rddreg [dreg:$0x0]  }
0x2: {  	s1 =	rddreg [dreg:$0x1]  }
0x3: {  	s9 =	rddreg [dreg:$0x2];
	s2 =	simm.s32 $0x0  }
0x4: {  	s18 =	stileid.u32;
	[smem:$0x7FF] =	sst s2;
	s5 =	sadd.s32 $0xA400, s0  }
0x5: {  	s16 =	sadd.s32 $0x6500, s0;
	_ =	strace $0x80000047;
	[dreg:$0xb] =	wrdreg s5  }
0x6: {  	s6 =	sshll.u32 s18, $0x8;
	s17 =	sadd.s32 $0x6600, s0;
	[dreg:$0xe] =	wrdreg s16  }
0x7: {  	s20 =	sshll.u32 s18, $0xF;
	s18 =	sadd.s32 $0x6700, s0;
	[dreg:$0xf] =	wrdreg s17  }
0x8: {  	s19 =	sadd.s32 $0x4500, s0;
	[dreg:$0x10] =	wrdreg s18  }
0x9: {  	s21 =	sadd.s32 $0x4600, s0;
	[dreg:$0x11] =	wrdreg s19  }
0xa: {  	s22 =	sadd.s32 $0x4700, s0;
	[dreg:$0x12] =	wrdreg s21  }
0xb: {  	s23 =	sadd.s32 $0x2500, s0;
	[dreg:$0x13] =	wrdreg s22  }
0xc: {  	s3 =	srdreg.scid;
	s24 =	sadd.s32 $0x2600, s0;
	[dreg:$0x14] =	wrdreg s23  }
0xd: {  	s10 =	sand.u32 $0x1, s3;
	s25 =	sadd.s32 $0x2700, s0;
	[dreg:$0x15] =	wrdreg s24  }
0xe: {  	s4 =	sadd.s32 $0x8400, s0;
	s26 =	sadd.s32 $0x500, s0;
	[dreg:$0x16] =	wrdreg s25  }
0xf: {  	s28 =	sadd.s32 $0x600, s0;
	s7 =	sshll.u32 s10, $0x7;
	[dreg:$0x17] =	wrdreg s26  }
0x10: {  	s5 =	sadd.s32 $0x6400, s0;
	s11 =	ssub.s32 $0x2, s10;
	[dreg:$0x18] =	wrdreg s28  }
0x11: {  	s1 =	sadd.s32 s20, s1;
	s10 =	sshll.u32 s10, $0xE;
	[smem:$0x7FD] =	sst s4  }
0x12: {  	[dreg:$0x9] =	wrdreg s5;
	s7 =	sor.u32 s7, s6;
	s6 =	sadd.s32 $0x4400, s0  }
0x13: {  	s9 =	sadd.s32 s20, s9;
	s1 =	sadd.s32 s10, s1;
	[dreg:$0xa] =	wrdreg s6  }
0x14: {  	s20 =	sadd.s32 s10, s9;
	[dreg:$0x4] =	wrdreg s1  }
0x15: {  	s5 =	sadd.s32 $0x8700, s0;
	[dreg:$0x5] =	wrdreg s20  }
0x16: {  	s8 =	sshrl.u32 s7, $0x3;
	s7 =	sadd.s32 $0x2400, s0;
	[dreg:$0x1b] =	wrdreg s5  }
0x17: {  	s13 =	sshrl.u32 s11, $0x1;
	s6 =	sadd.s32 $0xA500, s0;
	[dreg:$0xc] =	wrdreg s7  }
0x18: {  	s30 =	ssub.s32 s11, s13;
	s13 =	sadd.s32 $0xA700, s0;
	[dreg:$0x1c] =	wrdreg s6  }
0x19: {  	s11 =	sadd.s32 $0x8600, s0;
	[dreg:$0x1e] =	wrdreg s13  }
0x1a: {  	s12 =	sadd.s32 s8, s0;
	s8 =	sadd.s32 $0x400, s0;
	[dreg:$0x1f] =	wrdreg s11  }
0x1b: {  	s29 =	smax.u32 s30, $0x1;
	[dreg:$0xd] =	wrdreg s8  }
0x1c: {  	s7 =	sadd.s32 $0xA600, s0;
	[dreg:$0x8] =	wrdreg s29  }
0x1d: {  	s14 =	sadd.s32 $0xC600, s12;
	[dreg:$0x1d] =	wrdreg s7  }
0x1e: {  	s15 =	sadd.s32 $0xC400, s12;
	[dreg:$0x6] =	wrdreg s14  }
0x1f: {  	v2 =	vlaneseq.u32;
	s12 =	sadd.s32 $0x8500, s0;
	s0 =	sadd.s32 $0x700, s0;
	[dreg:$0x7] =	wrdreg s15  }
0x20: {  	s31 =	simm.s32 $0x1100;
	vm0 =	vmmov $0xffff;
	v1 =	vshrl.u32 v2, $0x3;
	s3 =	simm.s32 $0x0;
	[dreg:$0x19] =	wrdreg s0  }
0x21: {  	v0 =	vand.u32 $0x7, v2;
	v2 =	vor.u32 $0x8, v2;
	v1 =	vmul.u32 $0x8, v1;
	s9 =	simm.s32 $0x900;
	s30 =	simm.s32 $0x100;
	[smem:$0x7FC] =	sst s12  }
.LBB2_1:
0x22: {  	[dreg:$0x1a] =	wrdreg s3  }
0x23: {  	s0 =	rddreg [dreg:$0x6];
	s1 =	simm.s32 $0xD  }
0x24: {  	[tilespmem:s2], [sflag:$0xD] =	stream.linear.gather [hbm4b:s0+s2], $0x80, $0x38;
	[tilespmem:$0x18100] =	vst v63  }
0x25: {  	_ =	swait.ge [sflag:s1], $0x80  }
0x26: {  	[sflag:s1] =	ssyncset.done $0x0  }
0x27: {  	s8 =	simm.s32 $0x80;
	s15 =	rddreg [dreg:$0x7];
	[sflag:s1] =	ssyncadd.s32 $0xFFFFFF80  }
0x28: {  	[tilespmem:s8], [sflag:$0xD] =	stream.linear.gather [hbm4b:s15+s2], $0x80, $0x38;
	[tilespmem:$0x18100] =	vst v63  }
0x29: {  	_ =	swait.ge [sflag:s1], $0x80  }
0x2a: {  	[sflag:s1] =	ssyncset.done $0x0  }
0x2b: {  	[sflag:s1] =	ssyncadd.s32 $0xFFFFFF80  }
0x2c: {  	v3 =	vld [tilespmem:$0x0];
	_ =	sdelay $0x4  }
0x2d: {  	v4 =	vshll.u32 v3, $0x3  }
0x2e: {  	v3 =	vand.u32 $0x7, v3;
	v4 =	vand.u32 $0xFFFFFFC0, v4  }
0x2f: {  	v3 =	vor.u32 v3, v4  }
0x30: {  	v4 =	vperm.xlane v3, v0;
	_ =	sdelay $0x1  }
0x31: {  	v4 =	vadd.s32 v1, v4;
	_ =	sdelay $0x3  }
0x32: {  	s16 =	rddreg [dreg:$0xb]  }
0x33: {  	[tilespmem:s30], [sflag:$0x1] =	stream.indirect_vreg.gather [hbm4b:s16+s2], $0x80, v4, vm0, $0xb8;
	[tilespmem:$0x18100] =	vst v63  }
0x34: {  	v3 =	vperm.xlane v3, v2  }
0x35: {  	[tilespmem:s9], [sflag:$0x1] =	stream.indirect_vreg.gather [hbm4b:s6+s2], $0x80, v4, vm0, $0xb8;
	[tilespmem:$0x18100] =	vst v63  }
0x36: {  	v3 =	vadd.s32 v1, v3  }
0x37: {  	[tilespmem:s31], [sflag:$0x1] =	stream.indirect_vreg.gather [hbm4b:s7+s2], $0x80, v4, vm0, $0xb8;
	[tilespmem:$0x18100] =	vst v63  }
0x38: {  	s17 =	simm.s32 $0x1900  }
0x39: {  	[tilespmem:s17], [sflag:$0x1] =	stream.indirect_vreg.gather [hbm4b:s13+s2], $0x80, v4, vm0, $0xb8;
	[tilespmem:$0x18100] =	vst v63  }
0x3a: {  	s18 =	simm.s32 $0x2100  }
0x3b: {  	[tilespmem:s18], [sflag:$0x1] =	stream.indirect_vreg.gather [hbm4b:s16+s2], $0x80, v3, vm0, $0xb8;
	[tilespmem:$0x18100] =	vst v63  }
0x3c: {  	s19 =	simm.s32 $0x2900  }
0x3d: {  	[tilespmem:s19], [sflag:$0x1] =	stream.indirect_vreg.gather [hbm4b:s6+s2], $0x80, v3, vm0, $0xb8;
	[tilespmem:$0x18100] =	vst v63  }
0x3e: {  	s20 =	simm.s32 $0x3100  }
0x3f: {  	[tilespmem:s20], [sflag:$0x1] =	stream.indirect_vreg.gather [hbm4b:s7+s2], $0x80, v3, vm0, $0xb8;
	[tilespmem:$0x18100] =	vst v63  }
0x40: {  	s21 =	simm.s32 $0x3900  }
0x41: {  	[tilespmem:s21], [sflag:$0x1] =	stream.indirect_vreg.gather [hbm4b:s13+s2], $0x80, v3, vm0, $0xb8;
	[tilespmem:$0x18100] =	vst v63  }
0x42: {  	v3 =	vld [tilespmem:$0x0];
	_ =	sdelay $0x4  }
0x43: {  	v63 =	vshll.u32 v3, $0x3  }
0x44: {  	v3 =	vand.u32 $0x7, v3;
	v4 =	vand.u32 $0xFFFFFFC0, v63  }
0x45: {  	v3 =	vor.u32 v3, v4  }
0x46: {  	v4 =	vperm.xlane v3, v0;
	_ =	sdelay $0x1  }
0x47: {  	v4 =	vadd.s32 v1, v4;
	_ =	sdelay $0x3  }
0x48: {  	s22 =	simm.s32 $0x4100  }
0x49: {  	[tilespmem:s22], [sflag:$0x2] =	stream.indirect_vreg.gather [hbm4b:s4+s2], $0x80, v4, vm0, $0xb8;
	[tilespmem:$0x18100] =	vst v63  }
0x4a: {  	s23 =	simm.s32 $0x4900;
	v3 =	vperm.xlane v3, v2  }
0x4b: {  	[tilespmem:s23], [sflag:$0x2] =	stream.indirect_vreg.gather [hbm4b:s12+s2], $0x80, v4, vm0, $0xb8;
	[tilespmem:$0x18100] =	vst v63  }
0x4c: {  	s24 =	simm.s32 $0x5100;
	v3 =	vadd.s32 v1, v3  }
0x4d: {  	[tilespmem:s24], [sflag:$0x2] =	stream.indirect_vreg.gather [hbm4b:s11+s2], $0x80, v4, vm0, $0xb8;
	[tilespmem:$0x18100] =	vst v63  }
0x4e: {  	s25 =	simm.s32 $0x5900  }
0x4f: {  	[tilespmem:s25], [sflag:$0x2] =	stream.indirect_vreg.gather [hbm4b:s5+s2], $0x80, v4, vm0, $0xb8;
	[tilespmem:$0x18100] =	vst v63  }
0x50: {  	s26 =	simm.s32 $0x6100  }
0x51: {  	[tilespmem:s26], [sflag:$0x2] =	stream.indirect_vreg.gather [hbm4b:s4+s2], $0x80, v3, vm0, $0xb8;
	[tilespmem:$0x18100] =	vst v63  }
0x52: {  	s28 =	simm.s32 $0x6900  }
0x53: {  	[tilespmem:s28], [sflag:$0x2] =	stream.indirect_vreg.gather [hbm4b:s12+s2], $0x80, v3, vm0, $0xb8;
	[tilespmem:$0x18100] =	vst v63  }
0x54: {  	s29 =	simm.s32 $0x7100  }
0x55: {  	[tilespmem:s29], [sflag:$0x2] =	stream.indirect_vreg.gather [hbm4b:s11+s2], $0x80, v3, vm0, $0xb8;
	[tilespmem:$0x18100] =	vst v63  }
0x56: {  	s0 =	simm.s32 $0x0;
	s1 =	simm.s32 $0x0;
	s31 =	simm.s32 $0x7900  }
0x57: {  	[tilespmem:s31], [sflag:$0x2] =	stream.indirect_vreg.gather [hbm4b:s5+s2], $0x80, v3, vm0, $0xb8;
	[tilespmem:$0x18100] =	vst v63  }
.LBB2_2:
0x58: {  	p0 =	seq.s32 s0, $0x0  }
0x59: {  	s9 =	simm.s32 @!p0 $0x9  }
0x5a: {  	_ =	swait.ge @!p0 [sflag:s9], $0x4000  }
0x5b: {  	[sflag:s9] =	ssyncset.done @!p0 $0x0  }
0x5c: {  	[sflag:s9] =	ssyncadd.s32 @!p0 $0xFFFFC000  }
0x5d: {  	v3 =	vld [tilespmem:s1+$0x0];
	_ =	sdelay $0x4  }
0x5e: {  	v4 =	vshll.u32 v3, $0x3  }
0x5f: {  	v3 =	vand.u32 $0x7, v3;
	v4 =	vand.u32 $0xFFFFFFC0, v4  }
0x60: {  	v3 =	vor.u32 v3, v4  }
0x61: {  	v4 =	vperm.xlane v3, v0;
	_ =	sdelay $0x1  }
0x62: {  	v4 =	vadd.s32 v1, v4;
	_ =	sdelay $0x3  }
0x63: {  	s4 =	simm.s32 $0x8100;
	s3 =	rddreg [dreg:$0x9]  }
0x64: {  	[tilespmem:s4], [sflag:$0x3] =	stream.indirect_vreg.gather [hbm4b:s3+s2], $0x80, v4, vm0, $0xb8;
	[tilespmem:$0x18100] =	vst v63  }
0x65: {  	s12 =	simm.s32 $0x8900;
	s17 =	rddreg [dreg:$0xe];
	v3 =	vperm.xlane v3, v2  }
0x66: {  	[tilespmem:s12], [sflag:$0x3] =	stream.indirect_vreg.gather [hbm4b:s17+s2], $0x80, v4, vm0, $0xb8;
	[tilespmem:$0x18100] =	vst v63  }
0x67: {  	s13 =	simm.s32 $0x9100;
	s18 =	rddreg [dreg:$0xf];
	v3 =	vadd.s32 v1, v3  }
0x68: {  	[tilespmem:s13], [sflag:$0x3] =	stream.indirect_vreg.gather [hbm4b:s18+s2], $0x80, v4, vm0, $0xb8;
	[tilespmem:$0x18100] =	vst v63  }
0x69: {  	s14 =	simm.s32 $0x9900;
	s15 =	rddreg [dreg:$0x10]  }
0x6a: {  	[tilespmem:s14], [sflag:$0x3] =	stream.indirect_vreg.gather [hbm4b:s15+s2], $0x80, v4, vm0, $0xb8;
	[tilespmem:$0x18100] =	vst v63  }
0x6b: {  	s16 =	simm.s32 $0xA100  }
0x6c: {  	[tilespmem:s16], [sflag:$0x3] =	stream.indirect_vreg.gather [hbm4b:s3+s2], $0x80, v3, vm0, $0xb8;
	[tilespmem:$0x18100] =	vst v63  }
0x6d: {  	s19 =	simm.s32 $0xA900  }
0x6e: {  	[tilespmem:s19], [sflag:$0x3] =	stream.indirect_vreg.gather [hbm4b:s17+s2], $0x80, v3, vm0, $0xb8;
	[tilespmem:$0x18100] =	vst v63  }
0x6f: {  	s20 =	simm.s32 $0xB100  }
0x70: {  	[tilespmem:s20], [sflag:$0x3] =	stream.indirect_vreg.gather [hbm4b:s18+s2], $0x80, v3, vm0, $0xb8;
	[tilespmem:$0x18100] =	vst v63  }
0x71: {  	s21 =	simm.s32 $0xB900;
	s7 =	simm.s32 $0x1  }
0x72: {  	[tilespmem:s21], [sflag:$0x3] =	stream.indirect_vreg.gather [hbm4b:s15+s2], $0x80, v3, vm0, $0xb8;
	[tilespmem:$0x18100] =	vst v63  }
0x73: {  	_ =	swait.ge [sflag:s7], $0x4000  }
0x74: {  	s23 =	rddreg [dreg:$0x4];
	[sflag:s7] =	ssyncset.done $0x0  }
0x75: {  	s31 =	simm.s32 @!p0 $0xA;
	[sflag:s7] =	ssyncadd.s32 $0xFFFFC000;
	s9 =	sadd.s32 s0, s23  }
0x76: {  	[hbm4b:s9+s2] =	stream.linear.scatter [tilespmem:s30], [sflag:$0x7], $0x4000, $0x38;
	[tilespmem:$0x18100] =	vst v63  }
0x77: {  	_ =	swait.ge @!p0 [sflag:s31], $0x4000  }
0x78: {  	[sflag:s31] =	ssyncset.done @!p0 $0x0  }
0x79: {  	[sflag:s31] =	ssyncadd.s32 @!p0 $0xFFFFC000  }
0x7a: {  	v3 =	vld [tilespmem:s8+$0x0];
	_ =	sdelay $0x4  }
0x7b: {  	v55 =	vshll.u32 v3, $0x3  }
0x7c: {  	v3 =	vand.u32 $0x7, v3;
	v4 =	vand.u32 $0xFFFFFFC0, v55  }
0x7d: {  	v3 =	vor.u32 v3, v4  }
0x7e: {  	v4 =	vperm.xlane v3, v0;
	_ =	sdelay $0x1  }
0x7f: {  	v4 =	vadd.s32 v1, v4;
	_ =	sdelay $0x3  }
0x80: {  	s24 =	simm.s32 $0xC100;
	s20 =	rddreg [dreg:$0xb]  }
0x81: {  	[tilespmem:s24], [sflag:$0x4] =	stream.indirect_vreg.gather [hbm4b:s20+s2], $0x80, v4, vm0, $0xb8;
	[tilespmem:$0x18100] =	vst v63  }
0x82: {  	s25 =	simm.s32 $0xC900;
	s12 =	rddreg [dreg:$0x1c];
	v3 =	vperm.xlane v3, v2  }
0x83: {  	[tilespmem:s25], [sflag:$0x4] =	stream.indirect_vreg.gather [hbm4b:s12+s2], $0x80, v4, vm0, $0xb8;
	[tilespmem:$0x18100] =	vst v63  }
0x84: {  	s26 =	simm.s32 $0xD100;
	s13 =	rddreg [dreg:$0x1d];
	v3 =	vadd.s32 v1, v3  }
0x85: {  	[tilespmem:s26], [sflag:$0x4] =	stream.indirect_vreg.gather [hbm4b:s13+s2], $0x80, v4, vm0, $0xb8;
	[tilespmem:$0x18100] =	vst v63  }
0x86: {  	s28 =	simm.s32 $0xD900;
	s14 =	rddreg [dreg:$0x1e]  }
0x87: {  	[tilespmem:s28], [sflag:$0x4] =	stream.indirect_vreg.gather [hbm4b:s14+s2], $0x80, v4, vm0, $0xb8;
	[tilespmem:$0x18100] =	vst v63  }
0x88: {  	s29 =	simm.s32 $0xE100  }
0x89: {  	[tilespmem:s29], [sflag:$0x4] =	stream.indirect_vreg.gather [hbm4b:s20+s2], $0x80, v3, vm0, $0xb8;
	[tilespmem:$0x18100] =	vst v63  }
0x8a: {  	s31 =	simm.s32 $0xE900  }
0x8b: {  	[tilespmem:s31], [sflag:$0x4] =	stream.indirect_vreg.gather [hbm4b:s12+s2], $0x80, v3, vm0, $0xb8;
	[tilespmem:$0x18100] =	vst v63  }
0x8c: {  	s5 =	simm.s32 $0xF100  }
0x8d: {  	[tilespmem:s5], [sflag:$0x4] =	stream.indirect_vreg.gather [hbm4b:s13+s2], $0x80, v3, vm0, $0xb8;
	[tilespmem:$0x18100] =	vst v63  }
0x8e: {  	s6 =	simm.s32 $0xF900;
	s4 =	simm.s32 $0x2  }
0x8f: {  	[tilespmem:s6], [sflag:$0x4] =	stream.indirect_vreg.gather [hbm4b:s14+s2], $0x80, v3, vm0, $0xb8;
	[tilespmem:$0x18100] =	vst v63  }
0x90: {  	_ =	swait.ge [sflag:s4], $0x4000  }
0x91: {  	s10 =	sadd.s32 $0x80000, s9;
	[sflag:s4] =	ssyncset.done $0x0  }
0x92: {  	s31 =	simm.s32 @!p0 $0xB;
	s5 =	simm.s32 $0x4100;
	[sflag:s4] =	ssyncadd.s32 $0xFFFFC000  }
0x93: {  	[hbm4b:s10+s2] =	stream.linear.scatter [tilespmem:s5], [sflag:$0x8], $0x4000, $0x38;
	[tilespmem:$0x18100] =	vst v63  }
0x94: {  	_ =	swait.ge @!p0 [sflag:s31], $0x4000  }
0x95: {  	[sflag:s31] =	ssyncset.done @!p0 $0x0  }
0x96: {  	[sflag:s31] =	ssyncadd.s32 @!p0 $0xFFFFC000  }
0x97: {  	v3 =	vld [tilespmem:s8+$0x0];
	_ =	sdelay $0x4  }
0x98: {  	v56 =	vshll.u32 v3, $0x3  }
0x99: {  	v3 =	vand.u32 $0x7, v3;
	v4 =	vand.u32 $0xFFFFFFC0, v56  }
0x9a: {  	v3 =	vor.u32 v3, v4  }
0x9b: {  	v4 =	vperm.xlane v3, v0;
	_ =	sdelay $0x1  }
0x9c: {  	v4 =	vadd.s32 v1, v4;
	_ =	sdelay $0x1  }
0x9d: {  	s6 =	sld [smem:$0x7FD];
	_ =	sdelay $0x1  }
0x9e: {  	s11 =	simm.s32 $0x10100;
	s19 =	sld [smem:$0x7FC]  }
0x9f: {  	[tilespmem:s11], [sflag:$0x5] =	stream.indirect_vreg.gather [hbm4b:s6+s2], $0x80, v4, vm0, $0xb8;
	[tilespmem:$0x18100] =	vst v63  }
0xa0: {  	s16 =	simm.s32 $0x10900;
	v3 =	vperm.xlane v3, v2  }
0xa1: {  	[tilespmem:s16], [sflag:$0x5] =	stream.indirect_vreg.gather [hbm4b:s19+s2], $0x80, v4, vm0, $0xb8;
	[tilespmem:$0x18100] =	vst v63  }
0xa2: {  	s23 =	simm.s32 $0x11100;
	v3 =	vadd.s32 v1, v3;
	s16 =	rddreg [dreg:$0x1f]  }
0xa3: {  	[tilespmem:s23], [sflag:$0x5] =	stream.indirect_vreg.gather [hbm4b:s16+s2], $0x80, v4, vm0, $0xb8;
	[tilespmem:$0x18100] =	vst v63  }
0xa4: {  	s24 =	rddreg [dreg:$0x1b];
	s11 =	simm.s32 $0x11900  }
0xa5: {  	[tilespmem:s11], [sflag:$0x5] =	stream.indirect_vreg.gather [hbm4b:s24+s2], $0x80, v4, vm0, $0xb8;
	[tilespmem:$0x18100] =	vst v63  }
0xa6: {  	s26 =	simm.s32 $0x12100  }
0xa7: {  	[tilespmem:s26], [sflag:$0x5] =	stream.indirect_vreg.gather [hbm4b:s6+s2], $0x80, v3, vm0, $0xb8;
	[tilespmem:$0x18100] =	vst v63  }
0xa8: {  	s28 =	simm.s32 $0x12900  }
0xa9: {  	[tilespmem:s28], [sflag:$0x5] =	stream.indirect_vreg.gather [hbm4b:s19+s2], $0x80, v3, vm0, $0xb8;
	[tilespmem:$0x18100] =	vst v63  }
0xaa: {  	s29 =	simm.s32 $0x13100  }
0xab: {  	[tilespmem:s29], [sflag:$0x5] =	stream.indirect_vreg.gather [hbm4b:s16+s2], $0x80, v3, vm0, $0xb8;
	[tilespmem:$0x18100] =	vst v63  }
0xac: {  	s31 =	simm.s32 $0x13900;
	s11 =	simm.s32 $0x3  }
0xad: {  	[tilespmem:s31], [sflag:$0x5] =	stream.indirect_vreg.gather [hbm4b:s24+s2], $0x80, v3, vm0, $0xb8;
	[tilespmem:$0x18100] =	vst v63  }
0xae: {  	_ =	swait.ge [sflag:s11], $0x4000  }
0xaf: {  	s22 =	simm.s32 $0x8100;
	[sflag:s11] =	ssyncset.done $0x0  }
0xb0: {  	s5 =	sadd.s32 $0x100000, s9;
	s31 =	simm.s32 @!p0 $0xC;
	[sflag:s11] =	ssyncadd.s32 $0xFFFFC000  }
0xb1: {  	[hbm4b:s5+s2] =	stream.linear.scatter [tilespmem:s22], [sflag:$0x9], $0x4000, $0x38;
	[tilespmem:$0x18100] =	vst v63  }
0xb2: {  	_ =	swait.ge @!p0 [sflag:s31], $0x4000  }
0xb3: {  	[sflag:s31] =	ssyncset.done @!p0 $0x0  }
0xb4: {  	[sflag:s31] =	ssyncadd.s32 @!p0 $0xFFFFC000  }
0xb5: {  	v3 =	vld [tilespmem:s8+$0x0];
	_ =	sdelay $0x4  }
0xb6: {  	v57 =	vshll.u32 v3, $0x3  }
0xb7: {  	v3 =	vand.u32 $0x7, v3;
	v4 =	vand.u32 $0xFFFFFFC0, v57  }
0xb8: {  	v3 =	vor.u32 v3, v4  }
0xb9: {  	v4 =	vperm.xlane v3, v0;
	_ =	sdelay $0x1  }
0xba: {  	v4 =	vadd.s32 v1, v4;
	_ =	sdelay $0x3  }
0xbb: {  	s22 =	simm.s32 $0x14100  }
0xbc: {  	[tilespmem:s22], [sflag:$0x6] =	stream.indirect_vreg.gather [hbm4b:s3+s2], $0x80, v4, vm0, $0xb8;
	[tilespmem:$0x18100] =	vst v63  }
0xbd: {  	s23 =	simm.s32 $0x14900;
	v3 =	vperm.xlane v3, v2  }
0xbe: {  	[tilespmem:s23], [sflag:$0x6] =	stream.indirect_vreg.gather [hbm4b:s17+s2], $0x80, v4, vm0, $0xb8;
	[tilespmem:$0x18100] =	vst v63  }
0xbf: {  	s24 =	simm.s32 $0x15100;
	v3 =	vadd.s32 v1, v3  }
0xc0: {  	[tilespmem:s24], [sflag:$0x6] =	stream.indirect_vreg.gather [hbm4b:s18+s2], $0x80, v4, vm0, $0xb8;
	[tilespmem:$0x18100] =	vst v63  }
0xc1: {  	s26 =	simm.s32 $0x15900  }
0xc2: {  	[tilespmem:s26], [sflag:$0x6] =	stream.indirect_vreg.gather [hbm4b:s15+s2], $0x80, v4, vm0, $0xb8;
	[tilespmem:$0x18100] =	vst v63  }
0xc3: {  	s28 =	simm.s32 $0x16100  }
0xc4: {  	[tilespmem:s28], [sflag:$0x6] =	stream.indirect_vreg.gather [hbm4b:s3+s2], $0x80, v3, vm0, $0xb8;
	[tilespmem:$0x18100] =	vst v63  }
0xc5: {  	s31 =	simm.s32 $0x16900  }
0xc6: {  	[tilespmem:s31], [sflag:$0x6] =	stream.indirect_vreg.gather [hbm4b:s17+s2], $0x80, v3, vm0, $0xb8;
	[tilespmem:$0x18100] =	vst v63  }
0xc7: {  	s17 =	simm.s32 $0x17100  }
0xc8: {  	[tilespmem:s17], [sflag:$0x6] =	stream.indirect_vreg.gather [hbm4b:s18+s2], $0x80, v3, vm0, $0xb8;
	[tilespmem:$0x18100] =	vst v63  }
0xc9: {  	s22 =	simm.s32 $0x17900  }
0xca: {  	[tilespmem:s22], [sflag:$0x6] =	stream.indirect_vreg.gather [hbm4b:s15+s2], $0x80, v3, vm0, $0xb8;
	[tilespmem:$0x18100] =	vst v63  }
0xcb: {  	s15 =	simm.s32 $0x4  }
0xcc: {  	_ =	swait.ge [sflag:s15], $0x4000  }
0xcd: {  	[sflag:s15] =	ssyncset.done $0x0  }
0xce: {  	s21 =	simm.s32 $0xC100;
	s23 =	sadd.s32 $0x180000, s9;
	[sflag:s15] =	ssyncadd.s32 $0xFFFFC000  }
0xcf: {  	[hbm4b:s23+s2] =	stream.linear.scatter [tilespmem:s21], [sflag:$0xA], $0x4000, $0x38;
	[tilespmem:$0x18100] =	vst v63  }
0xd0: {  	s21 =	simm.s32 $0x7  }
0xd1: {  	_ =	swait.ge [sflag:s21], $0x4000  }
0xd2: {  	[sflag:s21] =	ssyncset.done $0x0  }
0xd3: {  	[sflag:s21] =	ssyncadd.s32 $0xFFFFC000  }
0xd4: {  	v3 =	vld [tilespmem:s1+$0x0];
	_ =	sdelay $0x4  }
0xd5: {  	v58 =	vshll.u32 v3, $0x3  }
0xd6: {  	v3 =	vand.u32 $0x7, v3;
	v4 =	vand.u32 $0xFFFFFFC0, v58  }
0xd7: {  	v3 =	vor.u32 v3, v4  }
0xd8: {  	v4 =	vperm.xlane v3, v0;
	_ =	sdelay $0x1  }
0xd9: {  	v4 =	vadd.s32 v1, v4;
	_ =	sdelay $0x3  }
0xda: {  	s3 =	rddreg [dreg:$0xa]  }
0xdb: {  	[tilespmem:s30], [sflag:$0x1] =	stream.indirect_vreg.gather [hbm4b:s3+s2], $0x80, v4, vm0, $0xb8;
	[tilespmem:$0x18100] =	vst v63  }
0xdc: {  	s24 =	simm.s32 $0x900;
	s22 =	rddreg [dreg:$0x11];
	v3 =	vperm.xlane v3, v2  }
0xdd: {  	[tilespmem:s24], [sflag:$0x1] =	stream.indirect_vreg.gather [hbm4b:s22+s2], $0x80, v4, vm0, $0xb8;
	[tilespmem:$0x18100] =	vst v63  }
0xde: {  	s26 =	simm.s32 $0x1100;
	s23 =	rddreg [dreg:$0x12];
	v3 =	vadd.s32 v1, v3  }
0xdf: {  	[tilespmem:s26], [sflag:$0x1] =	stream.indirect_vreg.gather [hbm4b:s23+s2], $0x80, v4, vm0, $0xb8;
	[tilespmem:$0x18100] =	vst v63  }
0xe0: {  	s28 =	simm.s32 $0x1900;
	s24 =	rddreg [dreg:$0x13]  }
0xe1: {  	[tilespmem:s28], [sflag:$0x1] =	stream.indirect_vreg.gather [hbm4b:s24+s2], $0x80, v4, vm0, $0xb8;
	[tilespmem:$0x18100] =	vst v63  }
0xe2: {  	s17 =	simm.s32 $0x2100  }
0xe3: {  	[tilespmem:s17], [sflag:$0x1] =	stream.indirect_vreg.gather [hbm4b:s3+s2], $0x80, v3, vm0, $0xb8;
	[tilespmem:$0x18100] =	vst v63  }
0xe4: {  	s18 =	simm.s32 $0x2900  }
0xe5: {  	[tilespmem:s18], [sflag:$0x1] =	stream.indirect_vreg.gather [hbm4b:s22+s2], $0x80, v3, vm0, $0xb8;
	[tilespmem:$0x18100] =	vst v63  }
0xe6: {  	s26 =	simm.s32 $0x3100  }
0xe7: {  	[tilespmem:s26], [sflag:$0x1] =	stream.indirect_vreg.gather [hbm4b:s23+s2], $0x80, v3, vm0, $0xb8;
	[tilespmem:$0x18100] =	vst v63  }
0xe8: {  	s31 =	simm.s32 $0x5;
	s28 =	simm.s32 $0x3900  }
0xe9: {  	[tilespmem:s28], [sflag:$0x1] =	stream.indirect_vreg.gather [hbm4b:s24+s2], $0x80, v3, vm0, $0xb8;
	[tilespmem:$0x18100] =	vst v63  }
0xea: {  	_ =	swait.ge [sflag:s31], $0x4000  }
0xeb: {  	s10 =	simm.s32 $0x10100;
	[sflag:s31] =	ssyncset.done $0x0  }
0xec: {  	s18 =	sadd.s32 $0x200000, s9;
	s26 =	simm.s32 $0x8;
	[sflag:s31] =	ssyncadd.s32 $0xFFFFC000  }
0xed: {  	[hbm4b:s18+s2] =	stream.linear.scatter [tilespmem:s10], [sflag:$0xB], $0x4000, $0x38;
	[tilespmem:$0x18100] =	vst v63  }
0xee: {  	_ =	swait.ge [sflag:s26], $0x4000  }
0xef: {  	[sflag:s26] =	ssyncset.done $0x0  }
0xf0: {  	[sflag:s26] =	ssyncadd.s32 $0xFFFFC000  }
0xf1: {  	v3 =	vld [tilespmem:s1+$0x0];
	_ =	sdelay $0x4  }
0xf2: {  	v59 =	vshll.u32 v3, $0x3  }
0xf3: {  	v3 =	vand.u32 $0x7, v3;
	v4 =	vand.u32 $0xFFFFFFC0, v59  }
0xf4: {  	v3 =	vor.u32 v3, v4  }
0xf5: {  	v4 =	vperm.xlane v3, v0;
	_ =	sdelay $0x1  }
0xf6: {  	v4 =	vadd.s32 v1, v4;
	_ =	sdelay $0x3  }
0xf7: {  	s25 =	simm.s32 $0x4100;
	s17 =	rddreg [dreg:$0xc]  }
0xf8: {  	[tilespmem:s25], [sflag:$0x2] =	stream.indirect_vreg.gather [hbm4b:s17+s2], $0x80, v4, vm0, $0xb8;
	[tilespmem:$0x18100] =	vst v63  }
0xf9: {  	s28 =	simm.s32 $0x4900;
	v3 =	vperm.xlane v3, v2;
	s25 =	rddreg [dreg:$0x14]  }
0xfa: {  	[tilespmem:s28], [sflag:$0x2] =	stream.indirect_vreg.gather [hbm4b:s25+s2], $0x80, v4, vm0, $0xb8;
	[tilespmem:$0x18100] =	vst v63  }
0xfb: {  	s10 =	simm.s32 $0x5100;
	s26 =	rddreg [dreg:$0x15];
	v3 =	vadd.s32 v1, v3  }
0xfc: {  	[tilespmem:s10], [sflag:$0x2] =	stream.indirect_vreg.gather [hbm4b:s26+s2], $0x80, v4, vm0, $0xb8;
	[tilespmem:$0x18100] =	vst v63  }
0xfd: {  	s18 =	simm.s32 $0x5900;
	s28 =	rddreg [dreg:$0x16]  }
0xfe: {  	[tilespmem:s18], [sflag:$0x2] =	stream.indirect_vreg.gather [hbm4b:s28+s2], $0x80, v4, vm0, $0xb8;
	[tilespmem:$0x18100] =	vst v63  }
0xff: {  	s10 =	simm.s32 $0x6100  }
0x100: {  	[tilespmem:s10], [sflag:$0x2] =	stream.indirect_vreg.gather [hbm4b:s17+s2], $0x80, v3, vm0, $0xb8;
	[tilespmem:$0x18100] =	vst v63  }
0x101: {  	s18 =	simm.s32 $0x6900  }
0x102: {  	[tilespmem:s18], [sflag:$0x2] =	stream.indirect_vreg.gather [hbm4b:s25+s2], $0x80, v3, vm0, $0xb8;
	[tilespmem:$0x18100] =	vst v63  }
0x103: {  	s10 =	simm.s32 $0x7100  }
0x104: {  	[tilespmem:s10], [sflag:$0x2] =	stream.indirect_vreg.gather [hbm4b:s26+s2], $0x80, v3, vm0, $0xb8;
	[tilespmem:$0x18100] =	vst v63  }
0x105: {  	s31 =	simm.s32 $0x6;
	s18 =	simm.s32 $0x7900  }
0x106: {  	[tilespmem:s18], [sflag:$0x2] =	stream.indirect_vreg.gather [hbm4b:s28+s2], $0x80, v3, vm0, $0xb8;
	[tilespmem:$0x18100] =	vst v63  }
0x107: {  	_ =	swait.ge [sflag:s31], $0x4000  }
0x108: {  	[sflag:s31] =	ssyncset.done $0x0  }
0x109: {  	s5 =	simm.s32 $0x14100;
	s9 =	sadd.s32 $0x280000, s9;
	[sflag:s31] =	ssyncadd.s32 $0xFFFFC000  }
0x10a: {  	[hbm4b:s9+s2] =	stream.linear.scatter [tilespmem:s5], [sflag:$0xC], $0x4000, $0x38;
	[tilespmem:$0x18100] =	vst v63  }
0x10b: {  	s5 =	simm.s32 $0x9  }
0x10c: {  	_ =	swait.ge [sflag:s5], $0x4000  }
0x10d: {  	[sflag:s5] =	ssyncset.done $0x0  }
0x10e: {  	[sflag:s5] =	ssyncadd.s32 $0xFFFFC000  }
0x10f: {  	v3 =	vld [tilespmem:s1+$0x0];
	_ =	sdelay $0x4  }
0x110: {  	v60 =	vshll.u32 v3, $0x3  }
0x111: {  	v3 =	vand.u32 $0x7, v3;
	v4 =	vand.u32 $0xFFFFFFC0, v60  }
0x112: {  	v3 =	vor.u32 v3, v4  }
0x113: {  	v4 =	vperm.xlane v3, v0;
	_ =	sdelay $0x1  }
0x114: {  	v4 =	vadd.s32 v1, v4;
	_ =	sdelay $0x3  }
0x115: {  	s29 =	simm.s32 $0x8100;
	s18 =	rddreg [dreg:$0xd]  }
0x116: {  	[tilespmem:s29], [sflag:$0x3] =	stream.indirect_vreg.gather [hbm4b:s18+s2], $0x80, v4, vm0, $0xb8;
	[tilespmem:$0x18100] =	vst v63  }
0x117: {  	s9 =	simm.s32 $0x8900;
	v3 =	vperm.xlane v3, v2;
	s29 =	rddreg [dreg:$0x17]  }
0x118: {  	[tilespmem:s9], [sflag:$0x3] =	stream.indirect_vreg.gather [hbm4b:s29+s2], $0x80, v4, vm0, $0xb8;
	[tilespmem:$0x18100] =	vst v63  }
0x119: {  	s10 =	simm.s32 $0x9100;
	s5 =	rddreg [dreg:$0x18];
	v3 =	vadd.s32 v1, v3  }
0x11a: {  	[tilespmem:s10], [sflag:$0x3] =	stream.indirect_vreg.gather [hbm4b:s5+s2], $0x80, v4, vm0, $0xb8;
	[tilespmem:$0x18100] =	vst v63  }
0x11b: {  	s31 =	simm.s32 $0x9900;
	s10 =	rddreg [dreg:$0x19]  }
0x11c: {  	[tilespmem:s31], [sflag:$0x3] =	stream.indirect_vreg.gather [hbm4b:s10+s2], $0x80, v4, vm0, $0xb8;
	[tilespmem:$0x18100] =	vst v63  }
0x11d: {  	s31 =	simm.s32 $0xA100  }
0x11e: {  	[tilespmem:s31], [sflag:$0x3] =	stream.indirect_vreg.gather [hbm4b:s18+s2], $0x80, v3, vm0, $0xb8;
	[tilespmem:$0x18100] =	vst v63  }
0x11f: {  	s31 =	simm.s32 $0xA900  }
0x120: {  	[tilespmem:s31], [sflag:$0x3] =	stream.indirect_vreg.gather [hbm4b:s29+s2], $0x80, v3, vm0, $0xb8;
	[tilespmem:$0x18100] =	vst v63  }
0x121: {  	s31 =	simm.s32 $0xB100  }
0x122: {  	[tilespmem:s31], [sflag:$0x3] =	stream.indirect_vreg.gather [hbm4b:s5+s2], $0x80, v3, vm0, $0xb8;
	[tilespmem:$0x18100] =	vst v63  }
0x123: {  	s31 =	simm.s32 $0xB900  }
0x124: {  	[tilespmem:s31], [sflag:$0x3] =	stream.indirect_vreg.gather [hbm4b:s10+s2], $0x80, v3, vm0, $0xb8;
	[tilespmem:$0x18100] =	vst v63  }
0x125: {  	_ =	swait.ge [sflag:s7], $0x4000  }
0x126: {  	s31 =	rddreg [dreg:$0x5];
	[sflag:s7] =	ssyncset.done $0x0  }
0x127: {  	[sflag:s7] =	ssyncadd.s32 $0xFFFFC000;
	s9 =	sadd.s32 s0, s31  }
0x128: {  	[hbm4b:s9+s2] =	stream.linear.scatter [tilespmem:s30], [sflag:$0x7], $0x4000, $0x38;
	[tilespmem:$0x18100] =	vst v63  }
0x129: {  	s30 =	simm.s32 $0xA  }
0x12a: {  	_ =	swait.ge [sflag:s30], $0x4000  }
0x12b: {  	[sflag:s30] =	ssyncset.done $0x0  }
0x12c: {  	[sflag:s30] =	ssyncadd.s32 $0xFFFFC000  }
0x12d: {  	v3 =	vld [tilespmem:s8+$0x0];
	_ =	sdelay $0x4  }
0x12e: {  	v61 =	vshll.u32 v3, $0x3  }
0x12f: {  	v3 =	vand.u32 $0x7, v3;
	v4 =	vand.u32 $0xFFFFFFC0, v61  }
0x130: {  	v3 =	vor.u32 v3, v4  }
0x131: {  	v4 =	vperm.xlane v3, v0;
	_ =	sdelay $0x1  }
0x132: {  	v4 =	vadd.s32 v1, v4;
	_ =	sdelay $0x3  }
0x133: {  	s31 =	simm.s32 $0xC100  }
0x134: {  	[tilespmem:s31], [sflag:$0x4] =	stream.indirect_vreg.gather [hbm4b:s3+s2], $0x80, v4, vm0, $0xb8;
	[tilespmem:$0x18100] =	vst v63  }
0x135: {  	s30 =	simm.s32 $0xC900;
	v3 =	vperm.xlane v3, v2  }
0x136: {  	[tilespmem:s30], [sflag:$0x4] =	stream.indirect_vreg.gather [hbm4b:s22+s2], $0x80, v4, vm0, $0xb8;
	[tilespmem:$0x18100] =	vst v63  }
0x137: {  	v3 =	vadd.s32 v1, v3;
	s30 =	simm.s32 $0xD100  }
0x138: {  	[tilespmem:s30], [sflag:$0x4] =	stream.indirect_vreg.gather [hbm4b:s23+s2], $0x80, v4, vm0, $0xb8;
	[tilespmem:$0x18100] =	vst v63  }
0x139: {  	s30 =	simm.s32 $0xD900  }
0x13a: {  	[tilespmem:s30], [sflag:$0x4] =	stream.indirect_vreg.gather [hbm4b:s24+s2], $0x80, v4, vm0, $0xb8;
	[tilespmem:$0x18100] =	vst v63  }
0x13b: {  	s30 =	simm.s32 $0xE100  }
0x13c: {  	[tilespmem:s30], [sflag:$0x4] =	stream.indirect_vreg.gather [hbm4b:s3+s2], $0x80, v3, vm0, $0xb8;
	[tilespmem:$0x18100] =	vst v63  }
0x13d: {  	s31 =	simm.s32 $0xE900  }
0x13e: {  	[tilespmem:s31], [sflag:$0x4] =	stream.indirect_vreg.gather [hbm4b:s22+s2], $0x80, v3, vm0, $0xb8;
	[tilespmem:$0x18100] =	vst v63  }
0x13f: {  	s22 =	simm.s32 $0xF100  }
0x140: {  	[tilespmem:s22], [sflag:$0x4] =	stream.indirect_vreg.gather [hbm4b:s23+s2], $0x80, v3, vm0, $0xb8;
	[tilespmem:$0x18100] =	vst v63  }
0x141: {  	s31 =	simm.s32 $0xF900  }
0x142: {  	[tilespmem:s31], [sflag:$0x4] =	stream.indirect_vreg.gather [hbm4b:s24+s2], $0x80, v3, vm0, $0xb8;
	[tilespmem:$0x18100] =	vst v63  }
0x143: {  	_ =	swait.ge [sflag:s4], $0x4000  }
0x144: {  	s3 =	sadd.s32 $0x80000, s9;
	[sflag:s4] =	ssyncset.done $0x0  }
0x145: {  	s30 =	simm.s32 $0xB;
	[sflag:s4] =	ssyncadd.s32 $0xFFFFC000;
	s4 =	simm.s32 $0x4100  }
0x146: {  	[hbm4b:s3+s2] =	stream.linear.scatter [tilespmem:s4], [sflag:$0x8], $0x4000, $0x38;
	[tilespmem:$0x18100] =	vst v63  }
0x147: {  	_ =	swait.ge [sflag:s30], $0x4000  }
0x148: {  	[sflag:s30] =	ssyncset.done $0x0  }
0x149: {  	[sflag:s30] =	ssyncadd.s32 $0xFFFFC000  }
0x14a: {  	v3 =	vld [tilespmem:s8+$0x0];
	_ =	sdelay $0x4  }
0x14b: {  	v62 =	vshll.u32 v3, $0x3  }
0x14c: {  	v3 =	vand.u32 $0x7, v3;
	v4 =	vand.u32 $0xFFFFFFC0, v62  }
0x14d: {  	v3 =	vor.u32 v3, v4  }
0x14e: {  	v4 =	vperm.xlane v3, v0;
	_ =	sdelay $0x1  }
0x14f: {  	v4 =	vadd.s32 v1, v4;
	_ =	sdelay $0x3  }
0x150: {  	s3 =	simm.s32 $0x10100  }
0x151: {  	[tilespmem:s3], [sflag:$0x5] =	stream.indirect_vreg.gather [hbm4b:s17+s2], $0x80, v4, vm0, $0xb8;
	[tilespmem:$0x18100] =	vst v63  }
0x152: {  	s22 =	simm.s32 $0x10900;
	v3 =	vperm.xlane v3, v2  }
0x153: {  	[tilespmem:s22], [sflag:$0x5] =	stream.indirect_vreg.gather [hbm4b:s25+s2], $0x80, v4, vm0, $0xb8;
	[tilespmem:$0x18100] =	vst v63  }
0x154: {  	s23 =	simm.s32 $0x11100;
	v3 =	vadd.s32 v1, v3  }
0x155: {  	[tilespmem:s23], [sflag:$0x5] =	stream.indirect_vreg.gather [hbm4b:s26+s2], $0x80, v4, vm0, $0xb8;
	[tilespmem:$0x18100] =	vst v63  }
0x156: {  	s24 =	simm.s32 $0x11900  }
0x157: {  	[tilespmem:s24], [sflag:$0x5] =	stream.indirect_vreg.gather [hbm4b:s28+s2], $0x80, v4, vm0, $0xb8;
	[tilespmem:$0x18100] =	vst v63  }
0x158: {  	s31 =	simm.s32 $0x12100  }
0x159: {  	[tilespmem:s31], [sflag:$0x5] =	stream.indirect_vreg.gather [hbm4b:s17+s2], $0x80, v3, vm0, $0xb8;
	[tilespmem:$0x18100] =	vst v63  }
0x15a: {  	s22 =	simm.s32 $0x12900  }
0x15b: {  	[tilespmem:s22], [sflag:$0x5] =	stream.indirect_vreg.gather [hbm4b:s25+s2], $0x80, v3, vm0, $0xb8;
	[tilespmem:$0x18100] =	vst v63  }
0x15c: {  	s23 =	simm.s32 $0x13100  }
0x15d: {  	[tilespmem:s23], [sflag:$0x5] =	stream.indirect_vreg.gather [hbm4b:s26+s2], $0x80, v3, vm0, $0xb8;
	[tilespmem:$0x18100] =	vst v63  }
0x15e: {  	s24 =	simm.s32 $0x13900  }
0x15f: {  	[tilespmem:s24], [sflag:$0x5] =	stream.indirect_vreg.gather [hbm4b:s28+s2], $0x80, v3, vm0, $0xb8;
	[tilespmem:$0x18100] =	vst v63  }
0x160: {  	_ =	swait.ge [sflag:s11], $0x4000  }
0x161: {  	s30 =	simm.s32 $0xC;
	[sflag:s11] =	ssyncset.done $0x0  }
0x162: {  	s25 =	sadd.s32 $0x100000, s9;
	s26 =	simm.s32 $0x8100;
	[sflag:s11] =	ssyncadd.s32 $0xFFFFC000  }
0x163: {  	[hbm4b:s25+s2] =	stream.linear.scatter [tilespmem:s26], [sflag:$0x9], $0x4000, $0x38;
	[tilespmem:$0x18100] =	vst v63  }
0x164: {  	_ =	swait.ge [sflag:s30], $0x4000  }
0x165: {  	[sflag:s30] =	ssyncset.done $0x0  }
0x166: {  	[sflag:s30] =	ssyncadd.s32 $0xFFFFC000  }
0x167: {  	v3 =	vld [tilespmem:s8+$0x0];
	_ =	sdelay $0x4  }
0x168: {  	v63 =	vshll.u32 v3, $0x3  }
0x169: {  	v3 =	vand.u32 $0x7, v3;
	v4 =	vand.u32 $0xFFFFFFC0, v63  }
0x16a: {  	v3 =	vor.u32 v3, v4  }
0x16b: {  	v4 =	vperm.xlane v3, v0;
	_ =	sdelay $0x1  }
0x16c: {  	v4 =	vadd.s32 v1, v4;
	_ =	sdelay $0x3  }
0x16d: {  	s4 =	simm.s32 $0x14100  }
0x16e: {  	[tilespmem:s4], [sflag:$0x6] =	stream.indirect_vreg.gather [hbm4b:s18+s2], $0x80, v4, vm0, $0xb8;
	[tilespmem:$0x18100] =	vst v63  }
0x16f: {  	s28 =	simm.s32 $0x14900;
	v3 =	vperm.xlane v3, v2  }
0x170: {  	[tilespmem:s28], [sflag:$0x6] =	stream.indirect_vreg.gather [hbm4b:s29+s2], $0x80, v4, vm0, $0xb8;
	[tilespmem:$0x18100] =	vst v63  }
0x171: {  	s31 =	simm.s32 $0x15100;
	v3 =	vadd.s32 v1, v3  }
0x172: {  	[tilespmem:s31], [sflag:$0x6] =	stream.indirect_vreg.gather [hbm4b:s5+s2], $0x80, v4, vm0, $0xb8;
	[tilespmem:$0x18100] =	vst v63  }
0x173: {  	s17 =	simm.s32 $0x15900  }
0x174: {  	[tilespmem:s17], [sflag:$0x6] =	stream.indirect_vreg.gather [hbm4b:s10+s2], $0x80, v4, vm0, $0xb8;
	[tilespmem:$0x18100] =	vst v63  }
0x175: {  	s22 =	simm.s32 $0x16100  }
0x176: {  	[tilespmem:s22], [sflag:$0x6] =	stream.indirect_vreg.gather [hbm4b:s18+s2], $0x80, v3, vm0, $0xb8;
	[tilespmem:$0x18100] =	vst v63  }
0x177: {  	s23 =	simm.s32 $0x16900  }
0x178: {  	[tilespmem:s23], [sflag:$0x6] =	stream.indirect_vreg.gather [hbm4b:s29+s2], $0x80, v3, vm0, $0xb8;
	[tilespmem:$0x18100] =	vst v63  }
0x179: {  	s24 =	simm.s32 $0x17100  }
0x17a: {  	[tilespmem:s24], [sflag:$0x6] =	stream.indirect_vreg.gather [hbm4b:s5+s2], $0x80, v3, vm0, $0xb8;
	[tilespmem:$0x18100] =	vst v63  }
0x17b: {  	s25 =	simm.s32 $0x17900  }
0x17c: {  	[tilespmem:s25], [sflag:$0x6] =	stream.indirect_vreg.gather [hbm4b:s10+s2], $0x80, v3, vm0, $0xb8;
	[tilespmem:$0x18100] =	vst v63  }
0x17d: {  	_ =	swait.ge [sflag:s15], $0x4000  }
0x17e: {  	[sflag:s15] =	ssyncset.done $0x0  }
0x17f: {  	s7 =	simm.s32 $0xC100;
	s26 =	sadd.s32 $0x180000, s9;
	[sflag:s15] =	ssyncadd.s32 $0xFFFFC000  }
0x180: {  	[hbm4b:s26+s2] =	stream.linear.scatter [tilespmem:s7], [sflag:$0xA], $0x4000, $0x38;
	[tilespmem:$0x18100] =	vst v63  }
0x181: {  	_ =	swait.ge [sflag:s21], $0x4000  }
0x182: {  	[sflag:s21] =	ssyncset.done $0x0  }
0x183: {  	p0 =	seq.s32 s0, $0x3800;
	[sflag:s21] =	ssyncadd.s32 $0xFFFFC000  }
0x184: {  	v3 =	vld @!p0 [tilespmem:s1+$0x10];
	_ =	sdelay $0x4  }
0x185: {  	v4 =	vshll.u32 @!p0 v3, $0x3  }
0x186: {  	v5 =	vlaneseq.u32 @!p0;
	v3 =	vand.u32 @!p0 $0x7, v3;
	v4 =	vand.u32 @!p0 $0xFFFFFFC0, v4  }
0x187: {  	v6 =	vshrl.u32 @!p0 v5, $0x3;
	v3 =	vor.u32 @!p0 v3, v4;
	v4 =	vand.u32 @!p0 $0x7, v5  }
0x188: {  	v6 =	vmul.u32 @!p0 $0x8, v6;
	v7 =	vperm.xlane @!p0 v3, v4;
	_ =	sdelay $0x1  }
0x189: {  	v7 =	vadd.s32 @!p0 v6, v7;
	_ =	sdelay $0x3  }
0x18a: {  	vm1 =	vmmov @!p0 $0xffff;
	s30 =	simm.s32 @!p0 $0x100;
	s31 =	simm.s32 @!p0 $0x0  }
0x18b: {  	v5 =	vor.u32 @!p0 $0x8, v5;
	[tilespmem:s30], [sflag:$0x1] =	stream.indirect_vreg.gather @!p0 [hbm4b:s20+s31], $0x80, v7, vm1, $0xb8;
	[tilespmem:$0x18100] =	vst v63  }
0x18c: {  	v3 =	vperm.xlane @!p0 v3, v5;
	s30 =	simm.s32 @!p0 $0x900  }
0x18d: {  	[tilespmem:s30], [sflag:$0x1] =	stream.indirect_vreg.gather @!p0 [hbm4b:s12+s31], $0x80, v7, vm1, $0xb8;
	[tilespmem:$0x18100] =	vst v63  }
0x18e: {  	v3 =	vadd.s32 @!p0 v6, v3;
	s30 =	simm.s32 @!p0 $0x1100  }
0x18f: {  	[tilespmem:s30], [sflag:$0x1] =	stream.indirect_vreg.gather @!p0 [hbm4b:s13+s31], $0x80, v7, vm1, $0xb8;
	[tilespmem:$0x18100] =	vst v63  }
0x190: {  	s30 =	simm.s32 @!p0 $0x1900  }
0x191: {  	[tilespmem:s30], [sflag:$0x1] =	stream.indirect_vreg.gather @!p0 [hbm4b:s14+s31], $0x80, v7, vm1, $0xb8;
	[tilespmem:$0x18100] =	vst v63  }
0x192: {  	s30 =	simm.s32 @!p0 $0x2100  }
0x193: {  	[tilespmem:s30], [sflag:$0x1] =	stream.indirect_vreg.gather @!p0 [hbm4b:s20+s31], $0x80, v3, vm1, $0xb8;
	[tilespmem:$0x18100] =	vst v63  }
0x194: {  	s30 =	simm.s32 @!p0 $0x2900  }
0x195: {  	[tilespmem:s30], [sflag:$0x1] =	stream.indirect_vreg.gather @!p0 [hbm4b:s12+s31], $0x80, v3, vm1, $0xb8;
	[tilespmem:$0x18100] =	vst v63  }
0x196: {  	s30 =	simm.s32 @!p0 $0x3100  }
0x197: {  	[tilespmem:s30], [sflag:$0x1] =	stream.indirect_vreg.gather @!p0 [hbm4b:s13+s31], $0x80, v3, vm1, $0xb8;
	[tilespmem:$0x18100] =	vst v63  }
0x198: {  	s28 =	simm.s32 $0x5;
	s30 =	simm.s32 @!p0 $0x3900  }
0x199: {  	[tilespmem:s30], [sflag:$0x1] =	stream.indirect_vreg.gather @!p0 [hbm4b:s14+s31], $0x80, v3, vm1, $0xb8;
	[tilespmem:$0x18100] =	vst v63  }
0x19a: {  	_ =	swait.ge [sflag:s28], $0x4000  }
0x19b: {  	[sflag:s28] =	ssyncset.done $0x0  }
0x19c: {  	s29 =	simm.s32 $0x8;
	s30 =	sadd.s32 $0x200000, s9;
	[sflag:s28] =	ssyncadd.s32 $0xFFFFC000  }
0x19d: {  	[hbm4b:s30+s2] =	stream.linear.scatter [tilespmem:s3], [sflag:$0xB], $0x4000, $0x38;
	[tilespmem:$0x18100] =	vst v63  }
0x19e: {  	_ =	swait.ge [sflag:s29], $0x4000  }
0x19f: {  	[sflag:s29] =	ssyncset.done $0x0  }
0x1a0: {  	[sflag:s29] =	ssyncadd.s32 $0xFFFFC000  }
0x1a1: {  	v3 =	vld @!p0 [tilespmem:s1+$0x10];
	_ =	sdelay $0x4  }
0x1a2: {  	v7 =	vshll.u32 @!p0 v3, $0x3  }
0x1a3: {  	v3 =	vand.u32 @!p0 $0x7, v3;
	v7 =	vand.u32 @!p0 $0xFFFFFFC0, v7  }
0x1a4: {  	v3 =	vor.u32 @!p0 v3, v7  }
0x1a5: {  	v4 =	vperm.xlane @!p0 v3, v4;
	_ =	sdelay $0x1  }
0x1a6: {  	v4 =	vadd.s32 @!p0 v6, v4;
	_ =	sdelay $0x3  }
0x1a7: {  	s30 =	simm.s32 @!p0 $0x4100  }
0x1a8: {  	[tilespmem:s30], [sflag:$0x2] =	stream.indirect_vreg.gather @!p0 [hbm4b:s6+s31], $0x80, v4, vm1, $0xb8;
	[tilespmem:$0x18100] =	vst v63  }
0x1a9: {  	v3 =	vperm.xlane @!p0 v3, v5;
	s30 =	simm.s32 @!p0 $0x4900  }
0x1aa: {  	[tilespmem:s30], [sflag:$0x2] =	stream.indirect_vreg.gather @!p0 [hbm4b:s19+s31], $0x80, v4, vm1, $0xb8;
	[tilespmem:$0x18100] =	vst v63  }
0x1ab: {  	v3 =	vadd.s32 @!p0 v6, v3;
	s30 =	simm.s32 @!p0 $0x5100  }
0x1ac: {  	[tilespmem:s30], [sflag:$0x2] =	stream.indirect_vreg.gather @!p0 [hbm4b:s16+s31], $0x80, v4, vm1, $0xb8;
	[tilespmem:$0x18100] =	vst v63  }
0x1ad: {  	s3 =	rddreg [dreg:$0x1b];
	s30 =	simm.s32 @!p0 $0x5900  }
0x1ae: {  	[tilespmem:s30], [sflag:$0x2] =	stream.indirect_vreg.gather @!p0 [hbm4b:s3+s31], $0x80, v4, vm1, $0xb8;
	[tilespmem:$0x18100] =	vst v63  }
0x1af: {  	s30 =	simm.s32 @!p0 $0x6100  }
0x1b0: {  	[tilespmem:s30], [sflag:$0x2] =	stream.indirect_vreg.gather @!p0 [hbm4b:s6+s31], $0x80, v3, vm1, $0xb8;
	[tilespmem:$0x18100] =	vst v63  }
0x1b1: {  	s30 =	simm.s32 @!p0 $0x6900  }
0x1b2: {  	[tilespmem:s30], [sflag:$0x2] =	stream.indirect_vreg.gather @!p0 [hbm4b:s19+s31], $0x80, v3, vm1, $0xb8;
	[tilespmem:$0x18100] =	vst v63  }
0x1b3: {  	s30 =	simm.s32 @!p0 $0x7100  }
0x1b4: {  	[tilespmem:s30], [sflag:$0x2] =	stream.indirect_vreg.gather @!p0 [hbm4b:s16+s31], $0x80, v3, vm1, $0xb8;
	[tilespmem:$0x18100] =	vst v63  }
0x1b5: {  	s0 =	sadd.s32 $0x800, s0;
	s30 =	simm.s32 @!p0 $0x7900  }
0x1b6: {  	[tilespmem:s30], [sflag:$0x2] =	stream.indirect_vreg.gather @!p0 [hbm4b:s3+s31], $0x80, v3, vm1, $0xb8;
	[tilespmem:$0x18100] =	vst v63  }
0x1b7: {  	p0 =	sne.s32 s0, $0x4000  }
.Ltmp0:
0x1b8: {  	s31 =	simm.s32 $0x6;
	(pc) =	sbr.rel @p0 .LBB2_2-.Ltmp0, $4  }
0x1b9: {  	_ =	swait.ge [sflag:s31], $0x4000  }
0x1ba: {  	s8 =	sadd.s32 $0x10, s8;
	s9 =	sadd.s32 $0x280000, s9;
	[sflag:s31] =	ssyncset.done $0x0  }
0x1bb: {  	s1 =	sadd.s32 $0x10, s1;
	s30 =	simm.s32 $0x100;
	[sflag:s31] =	ssyncadd.s32 $0xFFFFC000  }
0x1bc: {  	[hbm4b:s9+s2] =	stream.linear.scatter [tilespmem:s4], [sflag:$0xC], $0x4000, $0x38;
	[tilespmem:$0x18100] =	vst v63  }
0x1bd: {  	s0 =	simm.s32 $0x9  }
0x1be: {  	_ =	swait.ge [sflag:s0], $0x4000  }
0x1bf: {  	[sflag:s0] =	ssyncset.done $0x0  }
0x1c0: {  	s26 =	simm.s32 $0xA;
	[sflag:s0] =	ssyncadd.s32 $0xFFFFC000  }
0x1c1: {  	_ =	swait.ge [sflag:s26], $0x4000  }
0x1c2: {  	[sflag:s26] =	ssyncset.done $0x0  }
0x1c3: {  	s28 =	simm.s32 $0xB;
	[sflag:s26] =	ssyncadd.s32 $0xFFFFC000  }
0x1c4: {  	_ =	swait.ge [sflag:s28], $0x4000  }
0x1c5: {  	[sflag:s28] =	ssyncset.done $0x0  }
0x1c6: {  	s1 =	simm.s32 $0xC;
	[sflag:s28] =	ssyncadd.s32 $0xFFFFC000  }
0x1c7: {  	_ =	swait.ge [sflag:s1], $0x4000  }
0x1c8: {  	s3 =	rddreg [dreg:$0x1a]  }
0x1c9: {  	s29 =	rddreg [dreg:$0x8]  }
0x1ca: {  	s4 =	sld [smem:$0x7FD];
	s3 =	sadd.s32 $0x1, s3  }
0x1cb: {  	s6 =	rddreg [dreg:$0x1c];
	p0 =	sne.s32 s3, s29  }
.Ltmp1:
0x1cc: {  	s7 =	rddreg [dreg:$0x1d];
	(pc) =	sbr.rel @p0 .LBB2_1-.Ltmp1, $4  }
0x1cd: {  	s13 =	rddreg [dreg:$0x1e]  }
0x1ce: {  	s12 =	sld [smem:$0x7FC]  }
0x1cf: {  	s9 =	simm.s32 $0x900;
	[sflag:s1] =	ssyncset.done $0x0;
	s11 =	rddreg [dreg:$0x1f]  }
0x1d0: {  	s31 =	simm.s32 $0x1100;
	s5 =	rddreg [dreg:$0x1b];
	[sflag:s1] =	ssyncadd.s32 $0xFFFFC000  }
0x1d1: {  	_ =	sfence.sel $0x180000  }
0x1d2: {  	[bflag:$0x0] =	sbarrier.arrive $0xFFFF  }
0x1d3: {  	_ =	strace $0x90000047  }
0x1d4: {  	s0 =	stileid.u32;
	[bflag:$0x2] =	sbarrier.arrive $0xFFFF  }
0x1d5: {  	p0 =	sne.s32 s0, $0x0;
	s0 =	rddreg [dreg:$0x3]  }
0x1d6: {  	s0 =	sadd.s32 @!p0 $0x100000, s0  }
0x1d7: {  	[sflag:s0] =	ssyncadd.tile.s32 @!p0 $0x1;
	_ =	shalt  }
.Lfunc_end2:
_tile_overlayer_lowered:
.L_overlay_start_2:
0x1d8: {  	(tag) =	ssettag $0x2  }
0x1d9: {  	s0 =	rddreg [dreg:$0x0];
	s2 =	stileid.u32  }
0x1da: {  	s1 =	rddreg [dreg:$0x1];
	p0 =	sne.s32 s2, $0x0  }
0x1db: {  	s3 =	rddreg [dreg:$0x2];
	[bflag:$0x3] =	sbarrier.arrive $0xFFFF;
	s2 =	simm.s32 @!p0 $0x1C0D  }
0x1dc: {  	[timem:s3], [sflag:s2] =	dma.local @!p0 [hbm:s0], s1  }
0x1dd: {  	s0 =	simm.s32 @!p0 $0xD  }
0x1de: {  	_ =	swait.ge @!p0 [sflag:s0], s1  }
0x1df: {  	s1 =	ssub.s32 @!p0 $0x0, s1;
	[sflag:s0] =	ssyncset.done @!p0 $0x0  }
0x1e0: {  	[sflag:s0] =	ssyncadd.s32 @!p0 s1  }
0x1e1: {  	[bflag:$0x3] =	sbarrier.arrive $0xFFFF  }
0x1e2: {  	_ =	shalt  }

</sc_bundles>
